<compile_context>
chip_gen: v7x
topology: tpu7x:2x2x1
jax: 0.10.2.dev20260603
libtpu: 0.0.44.dev20260713+nightly
codegen_flags: <defaults>
</compile_context>

<pallas_src>
import functools

import jax
import jax.numpy as jnp
from jax import lax
from jax.experimental import pallas as pl
from jax.experimental.pallas import tpu as pltpu
from jax.experimental.pallas import tpu_sc as plsc



def _fps_body(npoint, N, B, xyz_ref, cx_ref, cy_ref, cz_ref):
    xr = xyz_ref[:, 0, :]
    yr = xyz_ref[:, 1, :]
    zr = xyz_ref[:, 2, :]
    lane = lax.broadcasted_iota(jnp.int32, (B, N), 1)
    col = lax.broadcasted_iota(jnp.int32, (B, npoint), 1)

    def body(i, c):
        dist, far, cx_a, cy_a, cz_a = c
        oh = lane == far
        cx = jnp.sum(jnp.where(oh, xr, 0.0), axis=1, keepdims=True)
        cy = jnp.sum(jnp.where(oh, yr, 0.0), axis=1, keepdims=True)
        cz = jnp.sum(jnp.where(oh, zr, 0.0), axis=1, keepdims=True)
        sel = col == i
        cx_a = jnp.where(sel, cx, cx_a)
        cy_a = jnp.where(sel, cy, cy_a)
        cz_a = jnp.where(sel, cz, cz_a)
        dx = xr - cx
        dy = yr - cy
        dz = zr - cz
        d = dx * dx + dy * dy + dz * dz
        dist = jnp.minimum(dist, d)
        far = jnp.argmax(dist, axis=1).astype(jnp.int32).reshape(B, 1)
        return (dist, far, cx_a, cy_a, cz_a)

    init = (
        jnp.full((B, N), 1e10, jnp.float32),
        jnp.zeros((B, 1), jnp.int32),
        jnp.zeros((B, npoint), jnp.float32),
        jnp.zeros((B, npoint), jnp.float32),
        jnp.zeros((B, npoint), jnp.float32),
    )
    _, _, cx_a, cy_a, cz_a = lax.fori_loop(0, npoint, body, init)
    cx_ref[...] = cx_a
    cy_ref[...] = cy_a
    cz_ref[...] = cz_a


def _fps(xyz_t, npoint):
    B, _, N = xyz_t.shape
    out = jax.ShapeDtypeStruct((B, npoint), jnp.float32)
    return pl.pallas_call(
        functools.partial(_fps_body, npoint, N, B),
        out_shape=(out, out, out),
    )(xyz_t)



def _round_bf16(x):
    u = lax.bitcast_convert_type(x, jnp.uint32)
    r = (u + 0x7FFF + ((u >> 16) & 1)) & jnp.uint32(0xFFFF0000)
    return lax.bitcast_convert_type(r, jnp.float32)


def _bq_body(r2, K, N, S_T, nxs_ref, xyz_ref, out_ref):
    b = pl.program_id(0)
    sx = nxs_ref[0, :, 0:1]
    sy = nxs_ref[0, :, 1:2]
    sz = nxs_ref[0, :, 2:3]
    nx = xyz_ref[0, 0:1, :]
    ny = xyz_ref[0, 1:2, :]
    nz = xyz_ref[0, 2:3, :]
    dots = (
        _round_bf16(sx) * _round_bf16(nx)
        + _round_bf16(sy) * _round_bf16(ny)
        + _round_bf16(sz) * _round_bf16(nz)
    )
    s2 = sx * sx + sy * sy + sz * sz
    n2 = nx * nx + ny * ny + nz * nz
    sqd = (s2 + n2) - 2.0 * dots
    lane = lax.broadcasted_iota(jnp.int32, (S_T, N), 1)
    colk = lax.broadcasted_iota(jnp.int32, (S_T, K), 1)
    sent = jnp.int32(N)
    masked = jnp.where(sqd <= r2, lane, sent)
    first = jnp.min(masked, axis=1, keepdims=True)

    def cond(c):
        j, m, _ = c
        return (j < K) & (jnp.min(m) < sent)

    def step(c):
        j, m, out = c
        sel = jnp.where(m == sent, first, m)
        out = jnp.where(colk == j, sel, out)
        m = jnp.min(jnp.where(masked > m, masked, sent), axis=1, keepdims=True)
        return (j + 1, m, out)

    jend, _, out = lax.while_loop(
        cond, step, (0, first, jnp.zeros((S_T, K), jnp.int32))
    )
    out = jnp.where(colk >= jend, first, out)
    out = jnp.minimum(out, N - 1)
    out_ref[...] = (out + b * N)[None, :, :]


def _ballq(nxs, xyz_t, radius, K):
    B, S, _ = nxs.shape
    N = xyz_t.shape[2]
    S_T = 128 if S % 128 == 0 else 64
    return pl.pallas_call(
        functools.partial(_bq_body, radius * radius, K, N, S_T),
        grid=(B, S // S_T),
        in_specs=[
            pl.BlockSpec((1, S_T, 3), lambda b, s: (b, s, 0)),
            pl.BlockSpec((1, 3, N), lambda b, s: (b, 0, 0)),
        ],
        out_specs=pl.BlockSpec((1, S_T, K), lambda b, s: (b, s, 0)),
        out_shape=jax.ShapeDtypeStruct((B, S, K), jnp.int32),
    )(nxs, xyz_t)



def _sc_gather(table, idx):
    V, D = table.shape
    R = idx.shape[0]
    NW = 32
    rpw = R // NW
    nch = rpw // 128
    mesh = plsc.VectorSubcoreMesh(core_axis_name="c", subcore_axis_name="s")

    @functools.partial(
        pl.kernel,
        out_type=jax.ShapeDtypeStruct((R, D), jnp.float32),
        mesh=mesh,
        compiler_params=pltpu.CompilerParams(use_tc_tiling_on_sc=False),
        scratch_types=[
            pltpu.VMEM((rpw,), jnp.int32),
            pltpu.VMEM((128, D), jnp.float32),
            pltpu.VMEM((128, D), jnp.float32),
            pltpu.SemaphoreType.DMA,
            pltpu.SemaphoreType.DMA,
        ],
    )
    def k(table_hbm, idx_hbm, out_hbm, idx_v, buf0, buf1, sem0, sem1):
        wid = lax.axis_index("s") * 2 + lax.axis_index("c")
        base = wid * rpw
        pltpu.sync_copy(idx_hbm.at[pl.ds(base, rpw)], idx_v)

        def gather(ch, buf, sem):
            pltpu.async_copy(
                table_hbm.at[idx_v.at[pl.ds(ch * 128, 128)]], buf, sem
            )

        def wait_gather(ch, buf, sem):
            pltpu.make_async_copy(
                table_hbm.at[idx_v.at[pl.ds(ch * 128, 128)]], buf, sem
            ).wait()

        gather(0, buf0, sem0)
        gather(1, buf1, sem1)

        def body(i, _):
            g = i * 2
            wait_gather(g, buf0, sem0)
            pltpu.sync_copy(buf0, out_hbm.at[pl.ds(base + g * 128, 128)])

            @pl.when(g + 2 < nch)
            def _():
                gather(g + 2, buf0, sem0)

            wait_gather(g + 1, buf1, sem1)
            pltpu.sync_copy(buf1, out_hbm.at[pl.ds(base + (g + 1) * 128, 128)])

            @pl.when(g + 3 < nch)
            def _():
                gather(g + 3, buf1, sem1)

            return 0

        lax.fori_loop(0, nch // 2, body, 0)

    return k(table, idx)



def _mlpA_body(K, nxp_ref, g_ref, w_ref, bias_ref, y_ref, st_ref):
    R_T = g_ref.shape[0]
    G_T = R_T // K
    x = g_ref[...].reshape(G_T, K, -1) - nxp_ref[...][:, None, :]
    x = x.reshape(R_T, -1)
    y = jnp.dot(x, w_ref[...], preferred_element_type=jnp.float32) + bias_ref[0:1, :]
    y_ref[...] = y

    @pl.when(pl.program_id(0) == 0)
    def _():
        st_ref[...] = jnp.zeros_like(st_ref)

    st_ref[0:1, :] += jnp.sum(y, axis=0, keepdims=True)
    st_ref[1:2, :] += jnp.sum(y * y, axis=0, keepdims=True)


def _mlpB_body(aff_ref, y_ref, w_ref, bias_ref, y2_ref, st_ref):
    z = jnp.maximum(y_ref[...] * aff_ref[0:1, :] + aff_ref[1:2, :], 0.0)
    y2 = jnp.dot(z, w_ref[...], preferred_element_type=jnp.float32) + bias_ref[0:1, :]
    y2_ref[...] = y2

    @pl.when(pl.program_id(0) == 0)
    def _():
        st_ref[...] = jnp.zeros_like(st_ref)

    st_ref[0:1, :] += jnp.sum(y2, axis=0, keepdims=True)
    st_ref[1:2, :] += jnp.sum(y2 * y2, axis=0, keepdims=True)


def _mlpD_body(K, aff_ref, y_ref, o_ref):
    z = jnp.maximum(y_ref[...] * aff_ref[0:1, :] + aff_ref[1:2, :], 0.0)
    R_T = z.shape[0]
    o_ref[...] = jnp.max(z.reshape(R_T // K, K, -1), axis=1)


def _affine(st, gamma, beta, count):
    mean = st[0] / count
    var = st[1] / count - mean * mean
    scale = gamma / jnp.sqrt(var + 1e-5)
    shift = beta - mean * scale
    z = jnp.zeros_like(scale)
    return jnp.stack([scale, shift, z, z, z, z, z, z])


def _row8(v):
    return jnp.concatenate([v[None, :], jnp.zeros((7, v.shape[0]), v.dtype)])


def _mlp_sa(g, nxs, lp, K, Dp, R_T):
    R = g.shape[0]
    G = R // K
    G_T = R_T // K
    grid = (R // R_T,)
    (W1, b1, ga1, be1), (W2, b2, ga2, be2), (W3, b3, ga3, be3) = lp
    C1, C2, C3 = W1.shape[0], W2.shape[0], W3.shape[0]
    cnt = jnp.float32(R)

    W1p = jnp.zeros((Dp, C1), jnp.float32).at[: W1.shape[1], :].set(W1.T)
    nxp = jnp.zeros((G, Dp), jnp.float32).at[:, :3].set(nxs)

    def statspec(C):
        return pl.BlockSpec((8, C), lambda i: (0, 0))

    y1, st1 = pl.pallas_call(
        functools.partial(_mlpA_body, K),
        grid=grid,
        in_specs=[
            pl.BlockSpec((G_T, Dp), lambda i: (i, 0)),
            pl.BlockSpec((R_T, Dp), lambda i: (i, 0)),
            pl.BlockSpec((Dp, C1), lambda i: (0, 0)),
            statspec(C1),
        ],
        out_specs=[pl.BlockSpec((R_T, C1), lambda i: (i, 0)), statspec(C1)],
        out_shape=[
            jax.ShapeDtypeStruct((R, C1), jnp.float32),
            jax.ShapeDtypeStruct((8, C1), jnp.float32),
        ],
    )(nxp, g, W1p, _row8(b1))

    def stage_b(aff, y, W, b, Cin, Cout):
        return pl.pallas_call(
            _mlpB_body,
            grid=grid,
            in_specs=[
                statspec(Cin),
                pl.BlockSpec((R_T, Cin), lambda i: (i, 0)),
                pl.BlockSpec((Cin, Cout), lambda i: (0, 0)),
                statspec(Cout),
            ],
            out_specs=[pl.BlockSpec((R_T, Cout), lambda i: (i, 0)), statspec(Cout)],
            out_shape=[
                jax.ShapeDtypeStruct((R, Cout), jnp.float32),
                jax.ShapeDtypeStruct((8, Cout), jnp.float32),
            ],
        )(aff, y, W.T, _row8(b))

    y2, st2 = stage_b(_affine(st1, ga1, be1, cnt), y1, W2, b2, C1, C2)
    y3, st3 = stage_b(_affine(st2, ga2, be2, cnt), y2, W3, b3, C2, C3)

    out = pl.pallas_call(
        functools.partial(_mlpD_body, K),
        grid=grid,
        in_specs=[
            statspec(C3),
            pl.BlockSpec((R_T, C3), lambda i: (i, 0)),
        ],
        out_specs=pl.BlockSpec((G_T, C3), lambda i: (i, 0)),
        out_shape=jax.ShapeDtypeStruct((G, C3), jnp.float32),
    )(_affine(st3, ga3, be3, cnt), y3)
    return out



def _sa3_body(B, S, x_ref, w1_ref, p1_ref, w2_ref, p2_ref, w3_ref, p3_ref, o_ref):
    x = x_ref[...]
    R = x.shape[0]
    for w_ref, p_ref in ((w1_ref, p1_ref), (w2_ref, p2_ref), (w3_ref, p3_ref)):
        y = jnp.dot(x, w_ref[...], preferred_element_type=jnp.float32) + p_ref[0:1, :]
        mean = jnp.sum(y, axis=0, keepdims=True) / R
        d = y - mean
        var = jnp.sum(d * d, axis=0, keepdims=True) / R
        x = jnp.maximum(d / jnp.sqrt(var + 1e-5) * p_ref[1:2, :] + p_ref[2:3, :], 0.0)
    o_ref[...] = jnp.max(x.reshape(B, S, -1), axis=1)


def _sa3(x3, lp, B, S):
    C3 = lp[2][0].shape[0]
    args = []
    for (W, b, ga, be) in lp:
        args.append(W.T)
        z = jnp.zeros_like(b)
        args.append(jnp.stack([b, ga, be, z, z, z, z, z]))
    return pl.pallas_call(
        functools.partial(_sa3_body, B, S),
        out_shape=jax.ShapeDtypeStruct((B, C3), jnp.float32),
    )(x3, *args)



def kernel(points, point_features, params):
    B, _, N = points.shape
    xyz = jnp.transpose(points, (0, 2, 1))
    feats = jnp.transpose(point_features, (0, 2, 1))

    cx, cy, cz = _fps(points, 512)
    nxs1 = jnp.stack([cx, cy, cz], axis=-1)
    nxt1 = jnp.stack([cx, cy, cz], axis=1)
    idx1 = _ballq(nxs1, points, 0.2, 32)
    table1 = jnp.concatenate(
        [xyz, feats, jnp.zeros((B, N, 10), jnp.float32)], axis=-1
    ).reshape(B * N, 16)
    g1 = _sc_gather(table1, idx1.reshape(-1))
    feats1 = _mlp_sa(g1, nxs1.reshape(B * 512, 3), params[0], K=32, Dp=16, R_T=4096)

    cx2, cy2, cz2 = _fps(nxt1, 128)
    nxs2 = jnp.stack([cx2, cy2, cz2], axis=-1)
    idx2 = _ballq(nxs2, nxt1, 0.4, 64)
    table2 = jnp.concatenate(
        [
            nxs1,
            feats1.reshape(B, 512, 128),
            jnp.zeros((B, 512, 13), jnp.float32),
        ],
        axis=-1,
    ).reshape(B * 512, 144)
    g2 = _sc_gather(table2, idx2.reshape(-1))
    feats2 = _mlp_sa(g2, nxs2.reshape(B * 128, 3), params[1], K=64, Dp=144, R_T=2048)

    x3 = jnp.concatenate([nxs2.reshape(B * 128, 3), feats2], axis=-1)
    return _sa3(x3, params[2], B, 128)

# --- scband reference (transcript-rebuilt; emitter-appended) ---
"""Pipeline reference for scband-pointnet-header-67577015435425 (READ-ONLY COPY).

The authoritative reference and input builder live on the scoring server;
editing this copy changes nothing except your own understanding.
"""

import jax, jax.numpy as jnp
import numpy as np

# Assumed yaml config: classic PointNet++ SSG classification head (3 SA modules).
# in_channel below is the raw feature channel from the cfg; the module adds +3 for xyz.
CFG = [
    {"npoint": 512, "radius": 0.2, "nsample": 32, "mlp": [64, 64, 128], "group_all": False},
    {"npoint": 128, "radius": 0.4, "nsample": 64, "mlp": [128, 128, 256], "group_all": False},
    {"npoint": None, "radius": None, "nsample": None, "mlp": [256, 512, 1024], "group_all": True},
]
FEAT_C = 3


def square_distance(src, dst):
    # src [B,S,3], dst [B,N,3] -> [B,S,N]
    return (jnp.sum(src ** 2, -1)[:, :, None]
            + jnp.sum(dst ** 2, -1)[:, None, :]
            - 2.0 * jnp.einsum('bsd,bnd->bsn', src, dst))


def index_points(points, idx):
    # points [B,N,C], idx [B,...] int -> [B,...,C]
    return jax.vmap(lambda p, i: p[i])(points, idx)


def farthest_point_sample(xyz, npoint):
    B, N, _ = xyz.shape

    def body(i, state):
        centroids, distance, farthest = state
        centroids = centroids.at[:, i].set(farthest)
        centroid = index_points(xyz, farthest[:, None])  # [B,1,3]
        dist = jnp.sum((xyz - centroid) ** 2, -1)
        distance = jnp.minimum(distance, dist)
        farthest = jnp.argmax(distance, -1).astype(jnp.int32)
        return (centroids, distance, farthest)

    init = (jnp.zeros((B, npoint), jnp.int32),
            jnp.full((B, N), 1e10, jnp.float32),
            jnp.zeros((B,), jnp.int32))
    centroids, _, _ = jax.lax.fori_loop(0, npoint, body, init)
    return centroids


def query_ball_point(radius, nsample, xyz, new_xyz):
    B, N, _ = xyz.shape
    S = new_xyz.shape[1]
    sqrdists = square_distance(new_xyz, xyz)  # [B,S,N]
    group_idx = jnp.broadcast_to(jnp.arange(N, dtype=jnp.int32)[None, None, :], (B, S, N))
    group_idx = jnp.where(sqrdists > radius ** 2, N, group_idx)
    group_idx = jnp.sort(group_idx, axis=-1)[:, :, :nsample]
    group_first = jnp.broadcast_to(group_idx[:, :, :1], group_idx.shape)
    group_idx = jnp.where(group_idx == N, group_first, group_idx)
    return group_idx


def sample_and_group(npoint, radius, nsample, xyz, points):
    fps_idx = farthest_point_sample(xyz, npoint)
    new_xyz = index_points(xyz, fps_idx)  # [B,S,3]
    idx = query_ball_point(radius, nsample, xyz, new_xyz)  # [B,S,ns]
    grouped_xyz = index_points(xyz, idx)  # [B,S,ns,3]
    grouped_xyz_norm = grouped_xyz - new_xyz[:, :, None, :]
    grouped_points = index_points(points, idx)  # [B,S,ns,C]
    new_points = jnp.concatenate([grouped_xyz_norm, grouped_points], axis=-1)
    return new_xyz, new_points


def sample_and_group_all(xyz, points):
    B = xyz.shape[0]
    new_xyz = jnp.zeros((B, 1, 3), xyz.dtype)
    new_points = jnp.concatenate([xyz[:, None, :, :], points[:, None, :, :]], axis=-1)
    return new_xyz, new_points


def sa_forward(cfg, layer_params, xyz, feats):
    if cfg["group_all"]:
        new_xyz, x = sample_and_group_all(xyz, feats)
    else:
        new_xyz, x = sample_and_group(cfg["npoint"], cfg["radius"], cfg["nsample"], xyz, feats)
    # x: [B, S, ns, Cin] channels-last; 1x1 Conv2d == per-point linear
    for (W, b, gamma, beta) in layer_params:
        x = jnp.einsum('bsnc,oc->bsno', x, W) + b
        mean = jnp.mean(x, axis=(0, 1, 2), keepdims=True)
        var = jnp.var(x, axis=(0, 1, 2), keepdims=True)
        x = (x - mean) / jnp.sqrt(var + 1e-5) * gamma + beta
        x = jax.nn.relu(x)
    new_feats = jnp.max(x, axis=2)  # max over nsample -> [B,S,Cout]
    return new_xyz, new_feats


def pointnet_header(points, point_features, params):
    xyz = jnp.transpose(points, (0, 2, 1))  # [B,N,3]
    feats = jnp.transpose(point_features, (0, 2, 1))  # [B,N,C]
    for cfg, lp in zip(CFG, params):
        xyz, feats = sa_forward(cfg, lp, xyz, feats)
    # last SA is group_all -> feats [B,1,1024]; torch squeeze(-1) on [B,1024,1]
    return feats[:, 0, :]


def setup_inputs(seed: int = 0):
    key = jax.random.key(seed)
    B, N = 16, 8192
    kp, kf, key = jax.random.split(key, 3)
    points = jax.random.normal(kp, (B, 3, N), jnp.float32)
    point_features = jax.random.normal(kf, (B, FEAT_C, N), jnp.float32)
    params = []
    last = FEAT_C
    for cfg in CFG:
        cin = last + 3
        lp = []
        for cout in cfg["mlp"]:
            key, kw = jax.random.split(key)
            W = jax.random.normal(kw, (cout, cin), jnp.float32) * (1.0 / np.sqrt(cin))
            b = jnp.zeros((cout,), jnp.float32)
            gamma = jnp.ones((cout,), jnp.float32)
            beta = jnp.zeros((cout,), jnp.float32)
            lp.append((W, b, gamma, beta))
            cin = cout
        params.append(tuple(lp))
        last = cfg["mlp"][-1]
    return {"points": points, "point_features": point_features, "params": tuple(params)}


def reference(points, point_features, params):
    return pointnet_header(points, point_features, params)

if __name__ == "__main__":
    import jax
    _d = setup_inputs()
    print(jax.jit(kernel)(*tuple(_d.values())))

</pallas_src>

<mosaic_0001>
#map = affine_map<(d0, d1) -> (0, 0)>
#map1 = affine_map<(d0, d1) -> (0)>
module attributes {stable_mosaic.version = 14 : i64} {
  func.func @k(%arg0: i32, %arg1: i32, %arg2: memref<131072x16xf32, #tpu.memory_space<hbm>>, %arg3: memref<262144xi32, #tpu.memory_space<hbm>>, %arg4: memref<262144x16xf32, #tpu.memory_space<hbm>>, %arg5: memref<8192xi32, #tpu.memory_space<vmem>>, %arg6: memref<128x16xf32, #tpu.memory_space<vmem>>, %arg7: memref<128x16xf32, #tpu.memory_space<vmem>>, %arg8: memref<!tpu.dma_semaphore, #tpu.memory_space<semaphore_mem>>, %arg9: memref<!tpu.dma_semaphore, #tpu.memory_space<semaphore_mem>>) attributes {dimension_semantics = [#tpu.dimension_semantics<core_parallel>, #tpu.dimension_semantics<subcore_parallel>], iteration_bounds = array<i64: 2, 16>, scalar_prefetch = 0 : i64, scratch_operands = 5 : i64, tpu.core_type = #tpu.core_type<sc_vector_subcore>, window_params = [{transform_indices = #map}, {transform_indices = #map1}, {transform_indices = #map}]} {
    %mul3A = arith.constant 2 : i32
    %mul3A_0 = arith.muli %arg1, %mul3A : i32
    %add3A = arith.addi %mul3A_0, %arg0 : i32
    %mul3A_1 = arith.constant 8192 : i32
    %mul3A_2 = arith.muli %add3A, %mul3A_1 : i32
    "tpu.region"() ({
      %run_scoped3A = tpu.sem_alloc : memref<!tpu.dma_semaphore, #tpu.memory_space<semaphore_mem>>
      %dma_start3A_18 = tpu.memref_slice %arg3[%mul3A_2] : memref<262144xi32, #tpu.memory_space<hbm>> -> memref<8192xi32, #tpu.memory_space<hbm>>
      %dma_start3A_19 = tpu.memref_slice %arg3[%mul3A_2] : memref<262144xi32, #tpu.memory_space<hbm>> -> memref<8192xi32, #tpu.memory_space<hbm>>
      tpu.enqueue_dma source(%dma_start3A_19 : memref<8192xi32, #tpu.memory_space<hbm>>) target(%arg5 : memref<8192xi32, #tpu.memory_space<vmem>>) target_semaphore(%run_scoped3A : memref<!tpu.dma_semaphore, #tpu.memory_space<semaphore_mem>>)
      %dma_wait3A = tpu.memref_slice %arg3[%mul3A_2] : memref<262144xi32, #tpu.memory_space<hbm>> -> memref<8192xi32, #tpu.memory_space<hbm>>
      %dma_wait3A_20 = tpu.memref_slice %arg3[%mul3A_2] : memref<262144xi32, #tpu.memory_space<hbm>> -> memref<8192xi32, #tpu.memory_space<hbm>>
      tpu.wait_dma2 semaphore(%run_scoped3A : memref<!tpu.dma_semaphore, #tpu.memory_space<semaphore_mem>>) src(%dma_wait3A_20 : memref<8192xi32, #tpu.memory_space<hbm>>) dst(%arg5 : memref<8192xi32, #tpu.memory_space<vmem>>)
      tpu.yield
    }) : () -> ()
    %dma_start3A = arith.constant 0 : i32
    %dma_start3A_3 = tpu.memref_slice %arg5[%dma_start3A] : memref<8192xi32, #tpu.memory_space<vmem>> -> memref<128xi32, #tpu.memory_space<vmem>>
    %dma_start3A_4 = arith.constant 0 : i32
    %dma_start3A_5 = arith.constant 0 : i32
    %dma_start3A_6 = tpu.memref_slice %arg2[%dma_start3A_4, %dma_start3A_5] : memref<131072x16xf32, #tpu.memory_space<hbm>> -> memref<131072x16xf32, #tpu.memory_space<hbm>>
    tpu.enqueue_indirect_dma source(%dma_start3A_6 : memref<131072x16xf32, #tpu.memory_space<hbm>>) target(%arg6 : memref<128x16xf32, #tpu.memory_space<vmem>>) offsets(%dma_start3A_3 : memref<128xi32, #tpu.memory_space<vmem>>) semaphore(%arg8 : memref<!tpu.dma_semaphore, #tpu.memory_space<semaphore_mem>>)
    %dma_start3A_7 = arith.constant 128 : i32
    %dma_start3A_8 = tpu.memref_slice %arg5[%dma_start3A_7] : memref<8192xi32, #tpu.memory_space<vmem>> -> memref<128xi32, #tpu.memory_space<vmem>>
    %dma_start3A_9 = arith.constant 0 : i32
    %dma_start3A_10 = arith.constant 0 : i32
    %dma_start3A_11 = tpu.memref_slice %arg2[%dma_start3A_9, %dma_start3A_10] : memref<131072x16xf32, #tpu.memory_space<hbm>> -> memref<131072x16xf32, #tpu.memory_space<hbm>>
    tpu.enqueue_indirect_dma source(%dma_start3A_11 : memref<131072x16xf32, #tpu.memory_space<hbm>>) target(%arg7 : memref<128x16xf32, #tpu.memory_space<vmem>>) offsets(%dma_start3A_8 : memref<128xi32, #tpu.memory_space<vmem>>) semaphore(%arg9 : memref<!tpu.dma_semaphore, #tpu.memory_space<semaphore_mem>>)
    %scan3A = arith.constant 0 : i32
    %scan3A_12 = arith.constant 0 : i32
    %scan3A_13 = arith.constant 32 : i32
    %scan3A_14 = arith.addi %scan3A_12, %scan3A_13 : i32
    %scan3A_15 = arith.constant 1 : i32
    %scan3A_16 = scf.for %scan3A_18 = %scan3A_12 to %scan3A_14 step %scan3A_15 iter_args(%scan3A_19 = %scan3A) -> (i32)  : i32 {
      %mul3A_20 = arith.constant 2 : i32
      %mul3A_21 = arith.muli %scan3A_18, %mul3A_20 : i32
      %mul3A_22 = arith.constant 128 : i32
      %mul3A_23 = arith.muli %mul3A_21, %mul3A_22 : i32
      %dma_wait3A = tpu.memref_slice %arg5[%mul3A_23] : memref<8192xi32, #tpu.memory_space<vmem>> -> memref<128xi32, #tpu.memory_space<vmem>>
      %dma_wait3A_24 = arith.constant 0 : i32
      %dma_wait3A_25 = arith.constant 0 : i32
      %dma_wait3A_26 = tpu.memref_slice %arg2[%dma_wait3A_24, %dma_wait3A_25] : memref<131072x16xf32, #tpu.memory_space<hbm>> -> memref<131072x16xf32, #tpu.memory_space<hbm>>
      tpu.wait_indirect_dma semaphore(%arg8 : memref<!tpu.dma_semaphore, #tpu.memory_space<semaphore_mem>>) src(%dma_wait3A_26 : memref<131072x16xf32, #tpu.memory_space<hbm>>) dst(%arg6 : memref<128x16xf32, #tpu.memory_space<vmem>>)
      %mul3A_27 = arith.constant 128 : i32
      %mul3A_28 = arith.muli %mul3A_21, %mul3A_27 : i32
      %add3A_29 = arith.addi %mul3A_2, %mul3A_28 : i32
      "tpu.region"() ({
        %run_scoped3A = tpu.sem_alloc : memref<!tpu.dma_semaphore, #tpu.memory_space<semaphore_mem>>
        %dma_start3A_55 = arith.constant 0 : i32
        %dma_start3A_56 = tpu.memref_slice %arg4[%add3A_29, %dma_start3A_55] : memref<262144x16xf32, #tpu.memory_space<hbm>> -> memref<128x16xf32, #tpu.memory_space<hbm>>
        %dma_start3A_57 = arith.constant 0 : i32
        %dma_start3A_58 = tpu.memref_slice %arg4[%add3A_29, %dma_start3A_57] : memref<262144x16xf32, #tpu.memory_space<hbm>> -> memref<128x16xf32, #tpu.memory_space<hbm>>
        tpu.enqueue_dma source(%arg6 : memref<128x16xf32, #tpu.memory_space<vmem>>) target(%dma_start3A_58 : memref<128x16xf32, #tpu.memory_space<hbm>>) target_semaphore(%run_scoped3A : memref<!tpu.dma_semaphore, #tpu.memory_space<semaphore_mem>>)
        %dma_wait3A_59 = arith.constant 0 : i32
        %dma_wait3A_60 = tpu.memref_slice %arg4[%add3A_29, %dma_wait3A_59] : memref<262144x16xf32, #tpu.memory_space<hbm>> -> memref<128x16xf32, #tpu.memory_space<hbm>>
        %dma_wait3A_61 = arith.constant 0 : i32
        %dma_wait3A_62 = tpu.memref_slice %arg4[%add3A_29, %dma_wait3A_61] : memref<262144x16xf32, #tpu.memory_space<hbm>> -> memref<128x16xf32, #tpu.memory_space<hbm>>
        tpu.wait_dma2 semaphore(%run_scoped3A : memref<!tpu.dma_semaphore, #tpu.memory_space<semaphore_mem>>) src(%arg6 : memref<128x16xf32, #tpu.memory_space<vmem>>) dst(%dma_wait3A_62 : memref<128x16xf32, #tpu.memory_space<hbm>>)
        tpu.yield
      }) : () -> ()
      %add3A_30 = arith.constant 2 : i32
      %add3A_31 = arith.addi %mul3A_21, %add3A_30 : i32
      %lt3A = arith.constant 64 : i32
      %lt3A_32 = arith.cmpi slt, %add3A_31, %lt3A : i32
      %convert_element_type3A = arith.extui %lt3A_32 : i1 to i32
      %cond3A = arith.constant 0 : i32
      %cond3A_33 = arith.cmpi ne, %convert_element_type3A, %cond3A : i32
      scf.if %cond3A_33 {
        %add3A_55 = arith.constant 2 : i32
        %add3A_56 = arith.addi %mul3A_21, %add3A_55 : i32
        %mul3A_57 = arith.constant 128 : i32
        %mul3A_58 = arith.muli %add3A_56, %mul3A_57 : i32
        %dma_start3A_59 = tpu.memref_slice %arg5[%mul3A_58] : memref<8192xi32, #tpu.memory_space<vmem>> -> memref<128xi32, #tpu.memory_space<vmem>>
        %dma_start3A_60 = arith.constant 0 : i32
        %dma_start3A_61 = arith.constant 0 : i32
        %dma_start3A_62 = tpu.memref_slice %arg2[%dma_start3A_60, %dma_start3A_61] : memref<131072x16xf32, #tpu.memory_space<hbm>> -> memref<131072x16xf32, #tpu.memory_space<hbm>>
        tpu.enqueue_indirect_dma source(%dma_start3A_62 : memref<131072x16xf32, #tpu.memory_space<hbm>>) target(%arg6 : memref<128x16xf32, #tpu.memory_space<vmem>>) offsets(%dma_start3A_59 : memref<128xi32, #tpu.memory_space<vmem>>) semaphore(%arg8 : memref<!tpu.dma_semaphore, #tpu.memory_space<semaphore_mem>>)
      } else {
      }
      %add3A_34 = arith.constant 1 : i32
      %add3A_35 = arith.addi %mul3A_21, %add3A_34 : i32
      %mul3A_36 = arith.constant 128 : i32
      %mul3A_37 = arith.muli %add3A_35, %mul3A_36 : i32
      %dma_wait3A_38 = tpu.memref_slice %arg5[%mul3A_37] : memref<8192xi32, #tpu.memory_space<vmem>> -> memref<128xi32, #tpu.memory_space<vmem>>
      %dma_wait3A_39 = arith.constant 0 : i32
      %dma_wait3A_40 = arith.constant 0 : i32
      %dma_wait3A_41 = tpu.memref_slice %arg2[%dma_wait3A_39, %dma_wait3A_40] : memref<131072x16xf32, #tpu.memory_space<hbm>> -> memref<131072x16xf32, #tpu.memory_space<hbm>>
      tpu.wait_indirect_dma semaphore(%arg9 : memref<!tpu.dma_semaphore, #tpu.memory_space<semaphore_mem>>) src(%dma_wait3A_41 : memref<131072x16xf32, #tpu.memory_space<hbm>>) dst(%arg7 : memref<128x16xf32, #tpu.memory_space<vmem>>)
      %add3A_42 = arith.constant 1 : i32
      %add3A_43 = arith.addi %mul3A_21, %add3A_42 : i32
      %mul3A_44 = arith.constant 128 : i32
      %mul3A_45 = arith.muli %add3A_43, %mul3A_44 : i32
      %add3A_46 = arith.addi %mul3A_2, %mul3A_45 : i32
      "tpu.region"() ({
        %run_scoped3A = tpu.sem_alloc : memref<!tpu.dma_semaphore, #tpu.memory_space<semaphore_mem>>
        %dma_start3A_55 = arith.constant 0 : i32
        %dma_start3A_56 = tpu.memref_slice %arg4[%add3A_46, %dma_start3A_55] : memref<262144x16xf32, #tpu.memory_space<hbm>> -> memref<128x16xf32, #tpu.memory_space<hbm>>
        %dma_start3A_57 = arith.constant 0 : i32
        %dma_start3A_58 = tpu.memref_slice %arg4[%add3A_46, %dma_start3A_57] : memref<262144x16xf32, #tpu.memory_space<hbm>> -> memref<128x16xf32, #tpu.memory_space<hbm>>
        tpu.enqueue_dma source(%arg7 : memref<128x16xf32, #tpu.memory_space<vmem>>) target(%dma_start3A_58 : memref<128x16xf32, #tpu.memory_space<hbm>>) target_semaphore(%run_scoped3A : memref<!tpu.dma_semaphore, #tpu.memory_space<semaphore_mem>>)
        %dma_wait3A_59 = arith.constant 0 : i32
        %dma_wait3A_60 = tpu.memref_slice %arg4[%add3A_46, %dma_wait3A_59] : memref<262144x16xf32, #tpu.memory_space<hbm>> -> memref<128x16xf32, #tpu.memory_space<hbm>>
        %dma_wait3A_61 = arith.constant 0 : i32
        %dma_wait3A_62 = tpu.memref_slice %arg4[%add3A_46, %dma_wait3A_61] : memref<262144x16xf32, #tpu.memory_space<hbm>> -> memref<128x16xf32, #tpu.memory_space<hbm>>
        tpu.wait_dma2 semaphore(%run_scoped3A : memref<!tpu.dma_semaphore, #tpu.memory_space<semaphore_mem>>) src(%arg7 : memref<128x16xf32, #tpu.memory_space<vmem>>) dst(%dma_wait3A_62 : memref<128x16xf32, #tpu.memory_space<hbm>>)
        tpu.yield
      }) : () -> ()
      %add3A_47 = arith.constant 3 : i32
      %add3A_48 = arith.addi %mul3A_21, %add3A_47 : i32
      %lt3A_49 = arith.constant 64 : i32
      %lt3A_50 = arith.cmpi slt, %add3A_48, %lt3A_49 : i32
      %convert_element_type3A_51 = arith.extui %lt3A_50 : i1 to i32
      %cond3A_52 = arith.constant 0 : i32
      %cond3A_53 = arith.cmpi ne, %convert_element_type3A_51, %cond3A_52 : i32
      scf.if %cond3A_53 {
        %add3A_55 = arith.constant 3 : i32
        %add3A_56 = arith.addi %mul3A_21, %add3A_55 : i32
        %mul3A_57 = arith.constant 128 : i32
        %mul3A_58 = arith.muli %add3A_56, %mul3A_57 : i32
        %dma_start3A_59 = tpu.memref_slice %arg5[%mul3A_58] : memref<8192xi32, #tpu.memory_space<vmem>> -> memref<128xi32, #tpu.memory_space<vmem>>
        %dma_start3A_60 = arith.constant 0 : i32
        %dma_start3A_61 = arith.constant 0 : i32
        %dma_start3A_62 = tpu.memref_slice %arg2[%dma_start3A_60, %dma_start3A_61] : memref<131072x16xf32, #tpu.memory_space<hbm>> -> memref<131072x16xf32, #tpu.memory_space<hbm>>
        tpu.enqueue_indirect_dma source(%dma_start3A_62 : memref<131072x16xf32, #tpu.memory_space<hbm>>) target(%arg7 : memref<128x16xf32, #tpu.memory_space<vmem>>) offsets(%dma_start3A_59 : memref<128xi32, #tpu.memory_space<vmem>>) semaphore(%arg9 : memref<!tpu.dma_semaphore, #tpu.memory_space<semaphore_mem>>)
      } else {
      }
      %scan3A_54 = arith.constant 0 : i32
      scf.yield %scan3A_54 : i32
    }
    %scan3A_17 = arith.constant 32 : i32
    return
  }
}

#map = affine_map<(d0, d1) -> (0, 0)>
#map1 = affine_map<(d0, d1) -> (0)>
module attributes {stable_mosaic.version = 14 : i64} {
  func.func @k(%arg0: i32, %arg1: i32, %arg2: memref<8192x144xf32, #tpu.memory_space<hbm>>, %arg3: memref<131072xi32, #tpu.memory_space<hbm>>, %arg4: memref<131072x144xf32, #tpu.memory_space<hbm>>, %arg5: memref<4096xi32, #tpu.memory_space<vmem>>, %arg6: memref<128x144xf32, #tpu.memory_space<vmem>>, %arg7: memref<128x144xf32, #tpu.memory_space<vmem>>, %arg8: memref<!tpu.dma_semaphore, #tpu.memory_space<semaphore_mem>>, %arg9: memref<!tpu.dma_semaphore, #tpu.memory_space<semaphore_mem>>) attributes {dimension_semantics = [#tpu.dimension_semantics<core_parallel>, #tpu.dimension_semantics<subcore_parallel>], iteration_bounds = array<i64: 2, 16>, scalar_prefetch = 0 : i64, scratch_operands = 5 : i64, tpu.core_type = #tpu.core_type<sc_vector_subcore>, window_params = [{transform_indices = #map}, {transform_indices = #map1}, {transform_indices = #map}]} {
    %mul3A = arith.constant 2 : i32
    %mul3A_0 = arith.muli %arg1, %mul3A : i32
    %add3A = arith.addi %mul3A_0, %arg0 : i32
    %mul3A_1 = arith.constant 4096 : i32
    %mul3A_2 = arith.muli %add3A, %mul3A_1 : i32
    "tpu.region"() ({
      %run_scoped3A = tpu.sem_alloc : memref<!tpu.dma_semaphore, #tpu.memory_space<semaphore_mem>>
      %dma_start3A_18 = tpu.memref_slice %arg3[%mul3A_2] : memref<131072xi32, #tpu.memory_space<hbm>> -> memref<4096xi32, #tpu.memory_space<hbm>>
      %dma_start3A_19 = tpu.memref_slice %arg3[%mul3A_2] : memref<131072xi32, #tpu.memory_space<hbm>> -> memref<4096xi32, #tpu.memory_space<hbm>>
      tpu.enqueue_dma source(%dma_start3A_19 : memref<4096xi32, #tpu.memory_space<hbm>>) target(%arg5 : memref<4096xi32, #tpu.memory_space<vmem>>) target_semaphore(%run_scoped3A : memref<!tpu.dma_semaphore, #tpu.memory_space<semaphore_mem>>)
      %dma_wait3A = tpu.memref_slice %arg3[%mul3A_2] : memref<131072xi32, #tpu.memory_space<hbm>> -> memref<4096xi32, #tpu.memory_space<hbm>>
      %dma_wait3A_20 = tpu.memref_slice %arg3[%mul3A_2] : memref<131072xi32, #tpu.memory_space<hbm>> -> memref<4096xi32, #tpu.memory_space<hbm>>
      tpu.wait_dma2 semaphore(%run_scoped3A : memref<!tpu.dma_semaphore, #tpu.memory_space<semaphore_mem>>) src(%dma_wait3A_20 : memref<4096xi32, #tpu.memory_space<hbm>>) dst(%arg5 : memref<4096xi32, #tpu.memory_space<vmem>>)
      tpu.yield
    }) : () -> ()
    %dma_start3A = arith.constant 0 : i32
    %dma_start3A_3 = tpu.memref_slice %arg5[%dma_start3A] : memref<4096xi32, #tpu.memory_space<vmem>> -> memref<128xi32, #tpu.memory_space<vmem>>
    %dma_start3A_4 = arith.constant 0 : i32
    %dma_start3A_5 = arith.constant 0 : i32
    %dma_start3A_6 = tpu.memref_slice %arg2[%dma_start3A_4, %dma_start3A_5] : memref<8192x144xf32, #tpu.memory_space<hbm>> -> memref<8192x144xf32, #tpu.memory_space<hbm>>
    tpu.enqueue_indirect_dma source(%dma_start3A_6 : memref<8192x144xf32, #tpu.memory_space<hbm>>) target(%arg6 : memref<128x144xf32, #tpu.memory_space<vmem>>) offsets(%dma_start3A_3 : memref<128xi32, #tpu.memory_space<vmem>>) semaphore(%arg8 : memref<!tpu.dma_semaphore, #tpu.memory_space<semaphore_mem>>)
    %dma_start3A_7 = arith.constant 128 : i32
    %dma_start3A_8 = tpu.memref_slice %arg5[%dma_start3A_7] : memref<4096xi32, #tpu.memory_space<vmem>> -> memref<128xi32, #tpu.memory_space<vmem>>
    %dma_start3A_9 = arith.constant 0 : i32
    %dma_start3A_10 = arith.constant 0 : i32
    %dma_start3A_11 = tpu.memref_slice %arg2[%dma_start3A_9, %dma_start3A_10] : memref<8192x144xf32, #tpu.memory_space<hbm>> -> memref<8192x144xf32, #tpu.memory_space<hbm>>
    tpu.enqueue_indirect_dma source(%dma_start3A_11 : memref<8192x144xf32, #tpu.memory_space<hbm>>) target(%arg7 : memref<128x144xf32, #tpu.memory_space<vmem>>) offsets(%dma_start3A_8 : memref<128xi32, #tpu.memory_space<vmem>>) semaphore(%arg9 : memref<!tpu.dma_semaphore, #tpu.memory_space<semaphore_mem>>)
    %scan3A = arith.constant 0 : i32
    %scan3A_12 = arith.constant 0 : i32
    %scan3A_13 = arith.constant 16 : i32
    %scan3A_14 = arith.addi %scan3A_12, %scan3A_13 : i32
    %scan3A_15 = arith.constant 1 : i32
    %scan3A_16 = scf.for %scan3A_18 = %scan3A_12 to %scan3A_14 step %scan3A_15 iter_args(%scan3A_19 = %scan3A) -> (i32)  : i32 {
      %mul3A_20 = arith.constant 2 : i32
      %mul3A_21 = arith.muli %scan3A_18, %mul3A_20 : i32
      %mul3A_22 = arith.constant 128 : i32
      %mul3A_23 = arith.muli %mul3A_21, %mul3A_22 : i32
      %dma_wait3A = tpu.memref_slice %arg5[%mul3A_23] : memref<4096xi32, #tpu.memory_space<vmem>> -> memref<128xi32, #tpu.memory_space<vmem>>
      %dma_wait3A_24 = arith.constant 0 : i32
      %dma_wait3A_25 = arith.constant 0 : i32
      %dma_wait3A_26 = tpu.memref_slice %arg2[%dma_wait3A_24, %dma_wait3A_25] : memref<8192x144xf32, #tpu.memory_space<hbm>> -> memref<8192x144xf32, #tpu.memory_space<hbm>>
      tpu.wait_indirect_dma semaphore(%arg8 : memref<!tpu.dma_semaphore, #tpu.memory_space<semaphore_mem>>) src(%dma_wait3A_26 : memref<8192x144xf32, #tpu.memory_space<hbm>>) dst(%arg6 : memref<128x144xf32, #tpu.memory_space<vmem>>)
      %mul3A_27 = arith.constant 128 : i32
      %mul3A_28 = arith.muli %mul3A_21, %mul3A_27 : i32
      %add3A_29 = arith.addi %mul3A_2, %mul3A_28 : i32
      "tpu.region"() ({
        %run_scoped3A = tpu.sem_alloc : memref<!tpu.dma_semaphore, #tpu.memory_space<semaphore_mem>>
        %dma_start3A_55 = arith.constant 0 : i32
        %dma_start3A_56 = tpu.memref_slice %arg4[%add3A_29, %dma_start3A_55] : memref<131072x144xf32, #tpu.memory_space<hbm>> -> memref<128x144xf32, #tpu.memory_space<hbm>>
        %dma_start3A_57 = arith.constant 0 : i32
        %dma_start3A_58 = tpu.memref_slice %arg4[%add3A_29, %dma_start3A_57] : memref<131072x144xf32, #tpu.memory_space<hbm>> -> memref<128x144xf32, #tpu.memory_space<hbm>>
        tpu.enqueue_dma source(%arg6 : memref<128x144xf32, #tpu.memory_space<vmem>>) target(%dma_start3A_58 : memref<128x144xf32, #tpu.memory_space<hbm>>) target_semaphore(%run_scoped3A : memref<!tpu.dma_semaphore, #tpu.memory_space<semaphore_mem>>)
        %dma_wait3A_59 = arith.constant 0 : i32
        %dma_wait3A_60 = tpu.memref_slice %arg4[%add3A_29, %dma_wait3A_59] : memref<131072x144xf32, #tpu.memory_space<hbm>> -> memref<128x144xf32, #tpu.memory_space<hbm>>
        %dma_wait3A_61 = arith.constant 0 : i32
        %dma_wait3A_62 = tpu.memref_slice %arg4[%add3A_29, %dma_wait3A_61] : memref<131072x144xf32, #tpu.memory_space<hbm>> -> memref<128x144xf32, #tpu.memory_space<hbm>>
        tpu.wait_dma2 semaphore(%run_scoped3A : memref<!tpu.dma_semaphore, #tpu.memory_space<semaphore_mem>>) src(%arg6 : memref<128x144xf32, #tpu.memory_space<vmem>>) dst(%dma_wait3A_62 : memref<128x144xf32, #tpu.memory_space<hbm>>)
        tpu.yield
      }) : () -> ()
      %add3A_30 = arith.constant 2 : i32
      %add3A_31 = arith.addi %mul3A_21, %add3A_30 : i32
      %lt3A = arith.constant 32 : i32
      %lt3A_32 = arith.cmpi slt, %add3A_31, %lt3A : i32
      %convert_element_type3A = arith.extui %lt3A_32 : i1 to i32
      %cond3A = arith.constant 0 : i32
      %cond3A_33 = arith.cmpi ne, %convert_element_type3A, %cond3A : i32
      scf.if %cond3A_33 {
        %add3A_55 = arith.constant 2 : i32
        %add3A_56 = arith.addi %mul3A_21, %add3A_55 : i32
        %mul3A_57 = arith.constant 128 : i32
        %mul3A_58 = arith.muli %add3A_56, %mul3A_57 : i32
        %dma_start3A_59 = tpu.memref_slice %arg5[%mul3A_58] : memref<4096xi32, #tpu.memory_space<vmem>> -> memref<128xi32, #tpu.memory_space<vmem>>
        %dma_start3A_60 = arith.constant 0 : i32
        %dma_start3A_61 = arith.constant 0 : i32
        %dma_start3A_62 = tpu.memref_slice %arg2[%dma_start3A_60, %dma_start3A_61] : memref<8192x144xf32, #tpu.memory_space<hbm>> -> memref<8192x144xf32, #tpu.memory_space<hbm>>
        tpu.enqueue_indirect_dma source(%dma_start3A_62 : memref<8192x144xf32, #tpu.memory_space<hbm>>) target(%arg6 : memref<128x144xf32, #tpu.memory_space<vmem>>) offsets(%dma_start3A_59 : memref<128xi32, #tpu.memory_space<vmem>>) semaphore(%arg8 : memref<!tpu.dma_semaphore, #tpu.memory_space<semaphore_mem>>)
      } else {
      }
      %add3A_34 = arith.constant 1 : i32
      %add3A_35 = arith.addi %mul3A_21, %add3A_34 : i32
      %mul3A_36 = arith.constant 128 : i32
      %mul3A_37 = arith.muli %add3A_35, %mul3A_36 : i32
      %dma_wait3A_38 = tpu.memref_slice %arg5[%mul3A_37] : memref<4096xi32, #tpu.memory_space<vmem>> -> memref<128xi32, #tpu.memory_space<vmem>>
      %dma_wait3A_39 = arith.constant 0 : i32
      %dma_wait3A_40 = arith.constant 0 : i32
      %dma_wait3A_41 = tpu.memref_slice %arg2[%dma_wait3A_39, %dma_wait3A_40] : memref<8192x144xf32, #tpu.memory_space<hbm>> -> memref<8192x144xf32, #tpu.memory_space<hbm>>
      tpu.wait_indirect_dma semaphore(%arg9 : memref<!tpu.dma_semaphore, #tpu.memory_space<semaphore_mem>>) src(%dma_wait3A_41 : memref<8192x144xf32, #tpu.memory_space<hbm>>) dst(%arg7 : memref<128x144xf32, #tpu.memory_space<vmem>>)
      %add3A_42 = arith.constant 1 : i32
      %add3A_43 = arith.addi %mul3A_21, %add3A_42 : i32
      %mul3A_44 = arith.constant 128 : i32
      %mul3A_45 = arith.muli %add3A_43, %mul3A_44 : i32
      %add3A_46 = arith.addi %mul3A_2, %mul3A_45 : i32
      "tpu.region"() ({
        %run_scoped3A = tpu.sem_alloc : memref<!tpu.dma_semaphore, #tpu.memory_space<semaphore_mem>>
        %dma_start3A_55 = arith.constant 0 : i32
        %dma_start3A_56 = tpu.memref_slice %arg4[%add3A_46, %dma_start3A_55] : memref<131072x144xf32, #tpu.memory_space<hbm>> -> memref<128x144xf32, #tpu.memory_space<hbm>>
        %dma_start3A_57 = arith.constant 0 : i32
        %dma_start3A_58 = tpu.memref_slice %arg4[%add3A_46, %dma_start3A_57] : memref<131072x144xf32, #tpu.memory_space<hbm>> -> memref<128x144xf32, #tpu.memory_space<hbm>>
        tpu.enqueue_dma source(%arg7 : memref<128x144xf32, #tpu.memory_space<vmem>>) target(%dma_start3A_58 : memref<128x144xf32, #tpu.memory_space<hbm>>) target_semaphore(%run_scoped3A : memref<!tpu.dma_semaphore, #tpu.memory_space<semaphore_mem>>)
        %dma_wait3A_59 = arith.constant 0 : i32
        %dma_wait3A_60 = tpu.memref_slice %arg4[%add3A_46, %dma_wait3A_59] : memref<131072x144xf32, #tpu.memory_space<hbm>> -> memref<128x144xf32, #tpu.memory_space<hbm>>
        %dma_wait3A_61 = arith.constant 0 : i32
        %dma_wait3A_62 = tpu.memref_slice %arg4[%add3A_46, %dma_wait3A_61] : memref<131072x144xf32, #tpu.memory_space<hbm>> -> memref<128x144xf32, #tpu.memory_space<hbm>>
        tpu.wait_dma2 semaphore(%run_scoped3A : memref<!tpu.dma_semaphore, #tpu.memory_space<semaphore_mem>>) src(%arg7 : memref<128x144xf32, #tpu.memory_space<vmem>>) dst(%dma_wait3A_62 : memref<128x144xf32, #tpu.memory_space<hbm>>)
        tpu.yield
      }) : () -> ()
      %add3A_47 = arith.constant 3 : i32
      %add3A_48 = arith.addi %mul3A_21, %add3A_47 : i32
      %lt3A_49 = arith.constant 32 : i32
      %lt3A_50 = arith.cmpi slt, %add3A_48, %lt3A_49 : i32
      %convert_element_type3A_51 = arith.extui %lt3A_50 : i1 to i32
      %cond3A_52 = arith.constant 0 : i32
      %cond3A_53 = arith.cmpi ne, %convert_element_type3A_51, %cond3A_52 : i32
      scf.if %cond3A_53 {
        %add3A_55 = arith.constant 3 : i32
        %add3A_56 = arith.addi %mul3A_21, %add3A_55 : i32
        %mul3A_57 = arith.constant 128 : i32
        %mul3A_58 = arith.muli %add3A_56, %mul3A_57 : i32
        %dma_start3A_59 = tpu.memref_slice %arg5[%mul3A_58] : memref<4096xi32, #tpu.memory_space<vmem>> -> memref<128xi32, #tpu.memory_space<vmem>>
        %dma_start3A_60 = arith.constant 0 : i32
        %dma_start3A_61 = arith.constant 0 : i32
        %dma_start3A_62 = tpu.memref_slice %arg2[%dma_start3A_60, %dma_start3A_61] : memref<8192x144xf32, #tpu.memory_space<hbm>> -> memref<8192x144xf32, #tpu.memory_space<hbm>>
        tpu.enqueue_indirect_dma source(%dma_start3A_62 : memref<8192x144xf32, #tpu.memory_space<hbm>>) target(%arg7 : memref<128x144xf32, #tpu.memory_space<vmem>>) offsets(%dma_start3A_59 : memref<128xi32, #tpu.memory_space<vmem>>) semaphore(%arg9 : memref<!tpu.dma_semaphore, #tpu.memory_space<semaphore_mem>>)
      } else {
      }
      %scan3A_54 = arith.constant 0 : i32
      scf.yield %scan3A_54 : i32
    }
    %scan3A_17 = arith.constant 16 : i32
    return
  }
}

module attributes {stable_mosaic.version = 14 : i64} {
  func.func @_fps_body(%arg0: memref<16x3x8192xf32, #tpu.memory_space<vmem>>, %arg1: memref<16x512xf32, #tpu.memory_space<vmem>>, %arg2: memref<16x512xf32, #tpu.memory_space<vmem>>, %arg3: memref<16x512xf32, #tpu.memory_space<vmem>>) attributes {dimension_semantics = [], scalar_prefetch = 0 : i64, scratch_operands = 0 : i64, tpu.core_type = #tpu.core_type<tc>} {
    %get3A = arith.constant 0 : index
    %get3A_0 = arith.constant 0 : index
    %get3A_1 = arith.constant 0 : index
    %get3A_2 = vector.load %arg0[%get3A, %get3A_0, %get3A_1] : memref<16x3x8192xf32, #tpu.memory_space<vmem>>, vector<16x1x8192xf32>
    %get3A_3 = vector.shape_cast %get3A_2 : vector<16x1x8192xf32> to vector<16x8192xf32>
    %get3A_4 = arith.constant 0 : index
    %get3A_5 = arith.constant 1 : index
    %get3A_6 = arith.constant 0 : index
    %get3A_7 = vector.load %arg0[%get3A_4, %get3A_5, %get3A_6] : memref<16x3x8192xf32, #tpu.memory_space<vmem>>, vector<16x1x8192xf32>
    %get3A_8 = vector.shape_cast %get3A_7 : vector<16x1x8192xf32> to vector<16x8192xf32>
    %get3A_9 = arith.constant 0 : index
    %get3A_10 = arith.constant 2 : index
    %get3A_11 = arith.constant 0 : index
    %get3A_12 = vector.load %arg0[%get3A_9, %get3A_10, %get3A_11] : memref<16x3x8192xf32, #tpu.memory_space<vmem>>, vector<16x1x8192xf32>
    %get3A_13 = vector.shape_cast %get3A_12 : vector<16x1x8192xf32> to vector<16x8192xf32>
    %iota3A = tpu.iota {dimensions = array<i32: 1>} : vector<16x8192xi32>
    %iota3A_14 = tpu.iota {dimensions = array<i32: 1>} : vector<16x512xi32>
    %broadcast_in_dim3A = arith.constant 1.000000e+10 : f32
    %broadcast_in_dim3A_15 = vector.broadcast %broadcast_in_dim3A : f32 to vector<16x8192xf32>
    %broadcast_in_dim3A_16 = arith.constant 0 : i32
    %broadcast_in_dim3A_17 = vector.broadcast %broadcast_in_dim3A_16 : i32 to vector<16x1xi32>
    %broadcast_in_dim3A_18 = arith.constant 0.000000e+00 : f32
    %broadcast_in_dim3A_19 = vector.broadcast %broadcast_in_dim3A_18 : f32 to vector<16x512xf32>
    %broadcast_in_dim3A_20 = arith.constant 0.000000e+00 : f32
    %broadcast_in_dim3A_21 = vector.broadcast %broadcast_in_dim3A_20 : f32 to vector<16x512xf32>
    %broadcast_in_dim3A_22 = arith.constant 0.000000e+00 : f32
    %broadcast_in_dim3A_23 = vector.broadcast %broadcast_in_dim3A_22 : f32 to vector<16x512xf32>
    %scan3A = arith.constant 0 : i32
    %scan3A_24 = arith.constant 512 : i32
    %scan3A_25 = arith.addi %scan3A, %scan3A_24 : i32
    %scan3A_26 = arith.constant 1 : i32
    %scan3A_27:5 = scf.for %scan3A_37 = %scan3A to %scan3A_25 step %scan3A_26 iter_args(%scan3A_38 = %broadcast_in_dim3A_15, %scan3A_39 = %broadcast_in_dim3A_17, %scan3A_40 = %broadcast_in_dim3A_19, %scan3A_41 = %broadcast_in_dim3A_21, %scan3A_42 = %broadcast_in_dim3A_23) -> (vector<16x8192xf32>, vector<16x1xi32>, vector<16x512xf32>, vector<16x512xf32>, vector<16x512xf32>)  : i32 {
      %eq3A = vector.broadcast %scan3A_39 : vector<16x1xi32> to vector<16x8192xi32>
      %eq3A_43 = arith.cmpi eq, %iota3A, %eq3A : vector<16x8192xi32>
      %jit3A = arith.constant 0.000000e+00 : f32
      %broadcast_in_dim3A_44 = vector.broadcast %jit3A : f32 to vector<16x8192xf32>
      %select_n3A = arith.select %eq3A_43, %get3A_3, %broadcast_in_dim3A_44 : vector<16x8192xi1>, vector<16x8192xf32>
      %reduce_sum3A = arith.constant dense<0.000000e+00> : vector<16xf32>
      %reduce_sum3A_45 = vector.multi_reduction <add>, %select_n3A, %reduce_sum3A [1] : vector<16x8192xf32> to vector<16xf32>
      %broadcast_in_dim3A_46 = vector.shape_cast %reduce_sum3A_45 : vector<16xf32> to vector<16x1xf32>
      %jit3A_47 = arith.constant 0.000000e+00 : f32
      %broadcast_in_dim3A_48 = vector.broadcast %jit3A_47 : f32 to vector<16x8192xf32>
      %select_n3A_49 = arith.select %eq3A_43, %get3A_8, %broadcast_in_dim3A_48 : vector<16x8192xi1>, vector<16x8192xf32>
      %reduce_sum3A_50 = arith.constant dense<0.000000e+00> : vector<16xf32>
      %reduce_sum3A_51 = vector.multi_reduction <add>, %select_n3A_49, %reduce_sum3A_50 [1] : vector<16x8192xf32> to vector<16xf32>
      %broadcast_in_dim3A_52 = vector.shape_cast %reduce_sum3A_51 : vector<16xf32> to vector<16x1xf32>
      %jit3A_53 = arith.constant 0.000000e+00 : f32
      %broadcast_in_dim3A_54 = vector.broadcast %jit3A_53 : f32 to vector<16x8192xf32>
      %select_n3A_55 = arith.select %eq3A_43, %get3A_13, %broadcast_in_dim3A_54 : vector<16x8192xi1>, vector<16x8192xf32>
      %reduce_sum3A_56 = arith.constant dense<0.000000e+00> : vector<16xf32>
      %reduce_sum3A_57 = vector.multi_reduction <add>, %select_n3A_55, %reduce_sum3A_56 [1] : vector<16x8192xf32> to vector<16xf32>
      %broadcast_in_dim3A_58 = vector.shape_cast %reduce_sum3A_57 : vector<16xf32> to vector<16x1xf32>
      %eq3A_59 = vector.broadcast %scan3A_37 : i32 to vector<16x512xi32>
      %eq3A_60 = arith.cmpi eq, %iota3A_14, %eq3A_59 : vector<16x512xi32>
      %broadcast_in_dim3A_61 = vector.shape_cast %broadcast_in_dim3A_46 : vector<16x1xf32> to vector<16x1xf32>
      %broadcast_in_dim3A_62 = vector.broadcast %broadcast_in_dim3A_61 : vector<16x1xf32> to vector<16x512xf32>
      %select_n3A_63 = arith.select %eq3A_60, %broadcast_in_dim3A_62, %scan3A_40 : vector<16x512xi1>, vector<16x512xf32>
      %broadcast_in_dim3A_64 = vector.shape_cast %broadcast_in_dim3A_52 : vector<16x1xf32> to vector<16x1xf32>
      %broadcast_in_dim3A_65 = vector.broadcast %broadcast_in_dim3A_64 : vector<16x1xf32> to vector<16x512xf32>
      %select_n3A_66 = arith.select %eq3A_60, %broadcast_in_dim3A_65, %scan3A_41 : vector<16x512xi1>, vector<16x512xf32>
      %broadcast_in_dim3A_67 = vector.shape_cast %broadcast_in_dim3A_58 : vector<16x1xf32> to vector<16x1xf32>
      %broadcast_in_dim3A_68 = vector.broadcast %broadcast_in_dim3A_67 : vector<16x1xf32> to vector<16x512xf32>
      %select_n3A_69 = arith.select %eq3A_60, %broadcast_in_dim3A_68, %scan3A_42 : vector<16x512xi1>, vector<16x512xf32>
      %sub3A = vector.broadcast %broadcast_in_dim3A_46 : vector<16x1xf32> to vector<16x8192xf32>
      %sub3A_70 = arith.subf %get3A_3, %sub3A : vector<16x8192xf32>
      %sub3A_71 = vector.broadcast %broadcast_in_dim3A_52 : vector<16x1xf32> to vector<16x8192xf32>
      %sub3A_72 = arith.subf %get3A_8, %sub3A_71 : vector<16x8192xf32>
      %sub3A_73 = vector.broadcast %broadcast_in_dim3A_58 : vector<16x1xf32> to vector<16x8192xf32>
      %sub3A_74 = arith.subf %get3A_13, %sub3A_73 : vector<16x8192xf32>
      %mul3A = arith.mulf %sub3A_70, %sub3A_70 : vector<16x8192xf32>
      %mul3A_75 = arith.mulf %sub3A_72, %sub3A_72 : vector<16x8192xf32>
      %add3A = arith.addf %mul3A, %mul3A_75 : vector<16x8192xf32>
      %mul3A_76 = arith.mulf %sub3A_74, %sub3A_74 : vector<16x8192xf32>
      %add3A_77 = arith.addf %add3A, %mul3A_76 : vector<16x8192xf32>
      %min3A = arith.minimumf %scan3A_38, %add3A_77 : vector<16x8192xf32>
      %argmax3A = tpu.reduce_index %min3A {axis = 1 : i32, kind = #tpu.reduction_kind<arg_max>} : vector<16x8192xf32> -> vector<16xi32>
      %reshape3A = vector.shape_cast %argmax3A : vector<16xi32> to vector<16x1xi32>
      scf.yield %min3A, %reshape3A, %select_n3A_63, %select_n3A_66, %select_n3A_69 : vector<16x8192xf32>, vector<16x1xi32>, vector<16x512xf32>, vector<16x512xf32>, vector<16x512xf32>
    }
    %scan3A_28 = arith.constant 512 : i32
    %swap3A = arith.constant 0 : index
    %swap3A_29 = arith.constant 0 : index
    %swap3A_30 = vector.load %arg1[%swap3A, %swap3A_29] : memref<16x512xf32, #tpu.memory_space<vmem>>, vector<16x512xf32>
    tpu.vector_store %arg1[%swap3A, %swap3A_29], %scan3A_27#2 {strides = array<i32>} : memref<16x512xf32, #tpu.memory_space<vmem>>, vector<16x512xf32>,
    %swap3A_31 = arith.constant 0 : index
    %swap3A_32 = arith.constant 0 : index
    %swap3A_33 = vector.load %arg2[%swap3A_31, %swap3A_32] : memref<16x512xf32, #tpu.memory_space<vmem>>, vector<16x512xf32>
    tpu.vector_store %arg2[%swap3A_31, %swap3A_32], %scan3A_27#3 {strides = array<i32>} : memref<16x512xf32, #tpu.memory_space<vmem>>, vector<16x512xf32>,
    %swap3A_34 = arith.constant 0 : index
    %swap3A_35 = arith.constant 0 : index
    %swap3A_36 = vector.load %arg3[%swap3A_34, %swap3A_35] : memref<16x512xf32, #tpu.memory_space<vmem>>, vector<16x512xf32>
    tpu.vector_store %arg3[%swap3A_34, %swap3A_35], %scan3A_27#4 {strides = array<i32>} : memref<16x512xf32, #tpu.memory_space<vmem>>, vector<16x512xf32>,
    return
  }
}

module attributes {stable_mosaic.version = 14 : i64} {
  func.func @_bq_body(%arg0: i32, %arg1: i32, %arg2: memref<1x128x3xf32, #tpu.memory_space<vmem>>, %arg3: memref<1x3x8192xf32, #tpu.memory_space<vmem>>, %arg4: memref<1x128x32xi32, #tpu.memory_space<vmem>>) attributes {dimension_semantics = [#tpu.dimension_semantics<arbitrary>, #tpu.dimension_semantics<arbitrary>], iteration_bounds = array<i64: 16, 4>, scalar_prefetch = 0 : i64, scratch_operands = 0 : i64, tpu.core_type = #tpu.core_type<tc>, window_params = [{transform_indices = @transform_0, window_bounds = array<i64: 1, 128, 3>}, {transform_indices = @transform_1, window_bounds = array<i64: 1, 3, 8192>}, {transform_indices = @transform_2, window_bounds = array<i64: 1, 128, 32>}]} {
    %get3A = arith.constant 0 : index
    %get3A_0 = arith.constant 0 : index
    %get3A_1 = arith.constant 0 : index
    %get3A_2 = vector.load %arg2[%get3A, %get3A_0, %get3A_1] : memref<1x128x3xf32, #tpu.memory_space<vmem>>, vector<1x128x1xf32>
    %get3A_3 = vector.shape_cast %get3A_2 : vector<1x128x1xf32> to vector<128x1xf32>
    %get3A_4 = arith.constant 0 : index
    %get3A_5 = arith.constant 0 : index
    %get3A_6 = arith.constant 1 : index
    %get3A_7 = vector.load %arg2[%get3A_4, %get3A_5, %get3A_6] : memref<1x128x3xf32, #tpu.memory_space<vmem>>, vector<1x128x1xf32>
    %get3A_8 = vector.shape_cast %get3A_7 : vector<1x128x1xf32> to vector<128x1xf32>
    %get3A_9 = arith.constant 0 : index
    %get3A_10 = arith.constant 0 : index
    %get3A_11 = arith.constant 2 : index
    %get3A_12 = vector.load %arg2[%get3A_9, %get3A_10, %get3A_11] : memref<1x128x3xf32, #tpu.memory_space<vmem>>, vector<1x128x1xf32>
    %get3A_13 = vector.shape_cast %get3A_12 : vector<1x128x1xf32> to vector<128x1xf32>
    %get3A_14 = arith.constant 0 : index
    %get3A_15 = arith.constant 0 : index
    %get3A_16 = arith.constant 0 : index
    %get3A_17 = vector.load %arg3[%get3A_14, %get3A_15, %get3A_16] : memref<1x3x8192xf32, #tpu.memory_space<vmem>>, vector<1x1x8192xf32>
    %get3A_18 = vector.shape_cast %get3A_17 : vector<1x1x8192xf32> to vector<1x8192xf32>
    %get3A_19 = arith.constant 0 : index
    %get3A_20 = arith.constant 1 : index
    %get3A_21 = arith.constant 0 : index
    %get3A_22 = vector.load %arg3[%get3A_19, %get3A_20, %get3A_21] : memref<1x3x8192xf32, #tpu.memory_space<vmem>>, vector<1x1x8192xf32>
    %get3A_23 = vector.shape_cast %get3A_22 : vector<1x1x8192xf32> to vector<1x8192xf32>
    %get3A_24 = arith.constant 0 : index
    %get3A_25 = arith.constant 2 : index
    %get3A_26 = arith.constant 0 : index
    %get3A_27 = vector.load %arg3[%get3A_24, %get3A_25, %get3A_26] : memref<1x3x8192xf32, #tpu.memory_space<vmem>>, vector<1x1x8192xf32>
    %get3A_28 = vector.shape_cast %get3A_27 : vector<1x1x8192xf32> to vector<1x8192xf32>
    %bitcast_convert_type3A = tpu.bitcast %get3A_3 : vector<128x1xf32> -> vector<128x1xi32>
    %add3A = arith.constant 32767 : i32
    %add3A_29 = vector.broadcast %add3A : i32 to vector<128x1xi32>
    %add3A_30 = arith.addi %bitcast_convert_type3A, %add3A_29 : vector<128x1xi32>
    %shift_right_logical3A = arith.constant 16 : i32
    %shift_right_logical3A_31 = vector.broadcast %shift_right_logical3A : i32 to vector<128x1xi32>
    %shift_right_logical3A_32 = arith.shrui %bitcast_convert_type3A, %shift_right_logical3A_31 : vector<128x1xi32>
    %and3A = arith.constant 1 : i32
    %and3A_33 = vector.broadcast %and3A : i32 to vector<128x1xi32>
    %and3A_34 = arith.andi %shift_right_logical3A_32, %and3A_33 : vector<128x1xi32>
    %add3A_35 = arith.addi %add3A_30, %and3A_34 : vector<128x1xi32>
    %and3A_36 = arith.constant -65536 : i32
    %and3A_37 = vector.broadcast %and3A_36 : i32 to vector<128x1xi32>
    %and3A_38 = arith.andi %add3A_35, %and3A_37 : vector<128x1xi32>
    %bitcast_convert_type3A_39 = tpu.bitcast %and3A_38 : vector<128x1xi32> -> vector<128x1xf32>
    %bitcast_convert_type3A_40 = tpu.bitcast %get3A_18 : vector<1x8192xf32> -> vector<1x8192xi32>
    %add3A_41 = arith.constant 32767 : i32
    %add3A_42 = vector.broadcast %add3A_41 : i32 to vector<1x8192xi32>
    %add3A_43 = arith.addi %bitcast_convert_type3A_40, %add3A_42 : vector<1x8192xi32>
    %shift_right_logical3A_44 = arith.constant 16 : i32
    %shift_right_logical3A_45 = vector.broadcast %shift_right_logical3A_44 : i32 to vector<1x8192xi32>
    %shift_right_logical3A_46 = arith.shrui %bitcast_convert_type3A_40, %shift_right_logical3A_45 : vector<1x8192xi32>
    %and3A_47 = arith.constant 1 : i32
    %and3A_48 = vector.broadcast %and3A_47 : i32 to vector<1x8192xi32>
    %and3A_49 = arith.andi %shift_right_logical3A_46, %and3A_48 : vector<1x8192xi32>
    %add3A_50 = arith.addi %add3A_43, %and3A_49 : vector<1x8192xi32>
    %and3A_51 = arith.constant -65536 : i32
    %and3A_52 = vector.broadcast %and3A_51 : i32 to vector<1x8192xi32>
    %and3A_53 = arith.andi %add3A_50, %and3A_52 : vector<1x8192xi32>
    %bitcast_convert_type3A_54 = tpu.bitcast %and3A_53 : vector<1x8192xi32> -> vector<1x8192xf32>
    %mul3A = vector.broadcast %bitcast_convert_type3A_39 : vector<128x1xf32> to vector<128x8192xf32>
    %mul3A_55 = vector.broadcast %bitcast_convert_type3A_54 : vector<1x8192xf32> to vector<128x8192xf32>
    %mul3A_56 = arith.mulf %mul3A, %mul3A_55 : vector<128x8192xf32>
    %bitcast_convert_type3A_57 = tpu.bitcast %get3A_8 : vector<128x1xf32> -> vector<128x1xi32>
    %add3A_58 = arith.constant 32767 : i32
    %add3A_59 = vector.broadcast %add3A_58 : i32 to vector<128x1xi32>
    %add3A_60 = arith.addi %bitcast_convert_type3A_57, %add3A_59 : vector<128x1xi32>
    %shift_right_logical3A_61 = arith.constant 16 : i32
    %shift_right_logical3A_62 = vector.broadcast %shift_right_logical3A_61 : i32 to vector<128x1xi32>
    %shift_right_logical3A_63 = arith.shrui %bitcast_convert_type3A_57, %shift_right_logical3A_62 : vector<128x1xi32>
    %and3A_64 = arith.constant 1 : i32
    %and3A_65 = vector.broadcast %and3A_64 : i32 to vector<128x1xi32>
    %and3A_66 = arith.andi %shift_right_logical3A_63, %and3A_65 : vector<128x1xi32>
    %add3A_67 = arith.addi %add3A_60, %and3A_66 : vector<128x1xi32>
    %and3A_68 = arith.constant -65536 : i32
    %and3A_69 = vector.broadcast %and3A_68 : i32 to vector<128x1xi32>
    %and3A_70 = arith.andi %add3A_67, %and3A_69 : vector<128x1xi32>
    %bitcast_convert_type3A_71 = tpu.bitcast %and3A_70 : vector<128x1xi32> -> vector<128x1xf32>
    %bitcast_convert_type3A_72 = tpu.bitcast %get3A_23 : vector<1x8192xf32> -> vector<1x8192xi32>
    %add3A_73 = arith.constant 32767 : i32
    %add3A_74 = vector.broadcast %add3A_73 : i32 to vector<1x8192xi32>
    %add3A_75 = arith.addi %bitcast_convert_type3A_72, %add3A_74 : vector<1x8192xi32>
    %shift_right_logical3A_76 = arith.constant 16 : i32
    %shift_right_logical3A_77 = vector.broadcast %shift_right_logical3A_76 : i32 to vector<1x8192xi32>
    %shift_right_logical3A_78 = arith.shrui %bitcast_convert_type3A_72, %shift_right_logical3A_77 : vector<1x8192xi32>
    %and3A_79 = arith.constant 1 : i32
    %and3A_80 = vector.broadcast %and3A_79 : i32 to vector<1x8192xi32>
    %and3A_81 = arith.andi %shift_right_logical3A_78, %and3A_80 : vector<1x8192xi32>
    %add3A_82 = arith.addi %add3A_75, %and3A_81 : vector<1x8192xi32>
    %and3A_83 = arith.constant -65536 : i32
    %and3A_84 = vector.broadcast %and3A_83 : i32 to vector<1x8192xi32>
    %and3A_85 = arith.andi %add3A_82, %and3A_84 : vector<1x8192xi32>
    %bitcast_convert_type3A_86 = tpu.bitcast %and3A_85 : vector<1x8192xi32> -> vector<1x8192xf32>
    %mul3A_87 = vector.broadcast %bitcast_convert_type3A_71 : vector<128x1xf32> to vector<128x8192xf32>
    %mul3A_88 = vector.broadcast %bitcast_convert_type3A_86 : vector<1x8192xf32> to vector<128x8192xf32>
    %mul3A_89 = arith.mulf %mul3A_87, %mul3A_88 : vector<128x8192xf32>
    %add3A_90 = arith.addf %mul3A_56, %mul3A_89 : vector<128x8192xf32>
    %bitcast_convert_type3A_91 = tpu.bitcast %get3A_13 : vector<128x1xf32> -> vector<128x1xi32>
    %add3A_92 = arith.constant 32767 : i32
    %add3A_93 = vector.broadcast %add3A_92 : i32 to vector<128x1xi32>
    %add3A_94 = arith.addi %bitcast_convert_type3A_91, %add3A_93 : vector<128x1xi32>
    %shift_right_logical3A_95 = arith.constant 16 : i32
    %shift_right_logical3A_96 = vector.broadcast %shift_right_logical3A_95 : i32 to vector<128x1xi32>
    %shift_right_logical3A_97 = arith.shrui %bitcast_convert_type3A_91, %shift_right_logical3A_96 : vector<128x1xi32>
    %and3A_98 = arith.constant 1 : i32
    %and3A_99 = vector.broadcast %and3A_98 : i32 to vector<128x1xi32>
    %and3A_100 = arith.andi %shift_right_logical3A_97, %and3A_99 : vector<128x1xi32>
    %add3A_101 = arith.addi %add3A_94, %and3A_100 : vector<128x1xi32>
    %and3A_102 = arith.constant -65536 : i32
    %and3A_103 = vector.broadcast %and3A_102 : i32 to vector<128x1xi32>
    %and3A_104 = arith.andi %add3A_101, %and3A_103 : vector<128x1xi32>
    %bitcast_convert_type3A_105 = tpu.bitcast %and3A_104 : vector<128x1xi32> -> vector<128x1xf32>
    %bitcast_convert_type3A_106 = tpu.bitcast %get3A_28 : vector<1x8192xf32> -> vector<1x8192xi32>
    %add3A_107 = arith.constant 32767 : i32
    %add3A_108 = vector.broadcast %add3A_107 : i32 to vector<1x8192xi32>
    %add3A_109 = arith.addi %bitcast_convert_type3A_106, %add3A_108 : vector<1x8192xi32>
    %shift_right_logical3A_110 = arith.constant 16 : i32
    %shift_right_logical3A_111 = vector.broadcast %shift_right_logical3A_110 : i32 to vector<1x8192xi32>
    %shift_right_logical3A_112 = arith.shrui %bitcast_convert_type3A_106, %shift_right_logical3A_111 : vector<1x8192xi32>
    %and3A_113 = arith.constant 1 : i32
    %and3A_114 = vector.broadcast %and3A_113 : i32 to vector<1x8192xi32>
    %and3A_115 = arith.andi %shift_right_logical3A_112, %and3A_114 : vector<1x8192xi32>
    %add3A_116 = arith.addi %add3A_109, %and3A_115 : vector<1x8192xi32>
    %and3A_117 = arith.constant -65536 : i32
    %and3A_118 = vector.broadcast %and3A_117 : i32 to vector<1x8192xi32>
    %and3A_119 = arith.andi %add3A_116, %and3A_118 : vector<1x8192xi32>
    %bitcast_convert_type3A_120 = tpu.bitcast %and3A_119 : vector<1x8192xi32> -> vector<1x8192xf32>
    %mul3A_121 = vector.broadcast %bitcast_convert_type3A_105 : vector<128x1xf32> to vector<128x8192xf32>
    %mul3A_122 = vector.broadcast %bitcast_convert_type3A_120 : vector<1x8192xf32> to vector<128x8192xf32>
    %mul3A_123 = arith.mulf %mul3A_121, %mul3A_122 : vector<128x8192xf32>
    %add3A_124 = arith.addf %add3A_90, %mul3A_123 : vector<128x8192xf32>
    %mul3A_125 = arith.mulf %get3A_3, %get3A_3 : vector<128x1xf32>
    %mul3A_126 = arith.mulf %get3A_8, %get3A_8 : vector<128x1xf32>
    %add3A_127 = arith.addf %mul3A_125, %mul3A_126 : vector<128x1xf32>
    %mul3A_128 = arith.mulf %get3A_13, %get3A_13 : vector<128x1xf32>
    %add3A_129 = arith.addf %add3A_127, %mul3A_128 : vector<128x1xf32>
    %mul3A_130 = arith.mulf %get3A_18, %get3A_18 : vector<1x8192xf32>
    %mul3A_131 = arith.mulf %get3A_23, %get3A_23 : vector<1x8192xf32>
    %add3A_132 = arith.addf %mul3A_130, %mul3A_131 : vector<1x8192xf32>
    %mul3A_133 = arith.mulf %get3A_28, %get3A_28 : vector<1x8192xf32>
    %add3A_134 = arith.addf %add3A_132, %mul3A_133 : vector<1x8192xf32>
    %add3A_135 = vector.broadcast %add3A_129 : vector<128x1xf32> to vector<128x8192xf32>
    %add3A_136 = vector.broadcast %add3A_134 : vector<1x8192xf32> to vector<128x8192xf32>
    %add3A_137 = arith.addf %add3A_135, %add3A_136 : vector<128x8192xf32>
    %mul3A_138 = arith.constant 2.000000e+00 : f32
    %mul3A_139 = vector.broadcast %mul3A_138 : f32 to vector<128x8192xf32>
    %mul3A_140 = arith.mulf %mul3A_139, %add3A_124 : vector<128x8192xf32>
    %sub3A = arith.subf %add3A_137, %mul3A_140 : vector<128x8192xf32>
    %iota3A = tpu.iota {dimensions = array<i32: 1>} : vector<128x8192xi32>
    %iota3A_141 = tpu.iota {dimensions = array<i32: 1>} : vector<128x32xi32>
    %le3A = arith.constant 4.000000e-02 : f32
    %le3A_142 = vector.broadcast %le3A : f32 to vector<128x8192xf32>
    %le3A_143 = arith.cmpf ole, %sub3A, %le3A_142 : vector<128x8192xf32>
    %jit3A = arith.constant 8192 : i32
    %broadcast_in_dim3A = vector.broadcast %jit3A : i32 to vector<128x8192xi32>
    %select_n3A = arith.select %le3A_143, %iota3A, %broadcast_in_dim3A : vector<128x8192xi1>, vector<128x8192xi32>
    %reduce_min3A = arith.constant dense<2147483647> : vector<128xi32>
    %reduce_min3A_144 = vector.multi_reduction <minsi>, %select_n3A, %reduce_min3A [1] : vector<128x8192xi32> to vector<128xi32>
    %broadcast_in_dim3A_145 = vector.shape_cast %reduce_min3A_144 : vector<128xi32> to vector<128x1xi32>
    %broadcast_in_dim3A_146 = arith.constant 0 : i32
    %broadcast_in_dim3A_147 = vector.broadcast %broadcast_in_dim3A_146 : i32 to vector<128x32xi32>
    %while3A = arith.constant 8192 : i32
    %while3A_148 = arith.constant 8192 : i32
    %while3A_149 = arith.constant 0 : i32
    %while3A_150:3 = scf.while (%while3A_165 = %while3A_149, %while3A_166 = %broadcast_in_dim3A_145, %while3A_167 = %broadcast_in_dim3A_147) : (i32, vector<128x1xi32>, vector<128x32xi32>) -> (i32, vector<128x1xi32>, vector<128x32xi32>) {
      %lt3A = arith.constant 32 : i32
      %lt3A_168 = arith.cmpi slt, %while3A_165, %lt3A : i32
      %reduce_min3A_169 = vector.shape_cast %while3A_166 : vector<128x1xi32> to vector<1x128x1xi32>
      %reduce_min3A_170 = arith.constant dense<2147483647> : vector<1xi32>
      %reduce_min3A_171 = vector.multi_reduction <minsi>, %reduce_min3A_169, %reduce_min3A_170 [1, 2] : vector<1x128x1xi32> to vector<1xi32>
      %reduce_min3A_172 = vector.shape_cast %reduce_min3A_171 : vector<1xi32> to vector<1x1x1xi32>
      %reduce_min3A_173 = vector.extract %reduce_min3A_172[0, 0, 0] : i32 from vector<1x1x1xi32>
      %lt3A_174 = arith.cmpi slt, %reduce_min3A_173, %while3A : i32
      %and3A_175 = arith.andi %lt3A_168, %lt3A_174 : i1
      scf.condition(%and3A_175) %while3A_165, %while3A_166, %while3A_167 : i32, vector<128x1xi32>, vector<128x32xi32>
    } do {
    ^bb0(%while3A_165: i32, %while3A_166: vector<128x1xi32>, %while3A_167: vector<128x32xi32>):
      %eq3A = vector.broadcast %while3A_148 : i32 to vector<128x1xi32>
      %eq3A_168 = arith.cmpi eq, %while3A_166, %eq3A : vector<128x1xi32>
      %select_n3A_169 = arith.select %eq3A_168, %broadcast_in_dim3A_145, %while3A_166 : vector<128x1xi1>, vector<128x1xi32>
      %eq3A_170 = vector.broadcast %while3A_165 : i32 to vector<128x32xi32>
      %eq3A_171 = arith.cmpi eq, %iota3A_141, %eq3A_170 : vector<128x32xi32>
      %broadcast_in_dim3A_172 = vector.shape_cast %select_n3A_169 : vector<128x1xi32> to vector<128x1xi32>
      %broadcast_in_dim3A_173 = vector.broadcast %broadcast_in_dim3A_172 : vector<128x1xi32> to vector<128x32xi32>
      %select_n3A_174 = arith.select %eq3A_171, %broadcast_in_dim3A_173, %while3A_167 : vector<128x32xi1>, vector<128x32xi32>
      %gt3A = vector.broadcast %while3A_166 : vector<128x1xi32> to vector<128x8192xi32>
      %gt3A_175 = arith.cmpi sgt, %select_n3A, %gt3A : vector<128x8192xi32>
      %broadcast_in_dim3A_176 = vector.broadcast %while3A_148 : i32 to vector<128x8192xi32>
      %select_n3A_177 = arith.select %gt3A_175, %select_n3A, %broadcast_in_dim3A_176 : vector<128x8192xi1>, vector<128x8192xi32>
      %reduce_min3A_178 = arith.constant dense<2147483647> : vector<128xi32>
      %reduce_min3A_179 = vector.multi_reduction <minsi>, %select_n3A_177, %reduce_min3A_178 [1] : vector<128x8192xi32> to vector<128xi32>
      %broadcast_in_dim3A_180 = vector.shape_cast %reduce_min3A_179 : vector<128xi32> to vector<128x1xi32>
      %add3A_181 = arith.constant 1 : i32
      %add3A_182 = arith.addi %while3A_165, %add3A_181 : i32
      scf.yield %add3A_182, %broadcast_in_dim3A_180, %select_n3A_174 : i32, vector<128x1xi32>, vector<128x32xi32>
    }
    %ge3A = vector.broadcast %while3A_150#0 : i32 to vector<128x32xi32>
    %ge3A_151 = arith.cmpi sge, %iota3A_141, %ge3A : vector<128x32xi32>
    %broadcast_in_dim3A_152 = vector.shape_cast %broadcast_in_dim3A_145 : vector<128x1xi32> to vector<128x1xi32>
    %broadcast_in_dim3A_153 = vector.broadcast %broadcast_in_dim3A_152 : vector<128x1xi32> to vector<128x32xi32>
    %select_n3A_154 = arith.select %ge3A_151, %broadcast_in_dim3A_153, %while3A_150#2 : vector<128x32xi1>, vector<128x32xi32>
    %min3A = arith.constant 8191 : i32
    %min3A_155 = vector.broadcast %min3A : i32 to vector<128x32xi32>
    %min3A_156 = arith.minsi %select_n3A_154, %min3A_155 : vector<128x32xi32>
    %mul3A_157 = arith.constant 8192 : i32
    %mul3A_158 = arith.muli %arg0, %mul3A_157 : i32
    %add3A_159 = vector.broadcast %mul3A_158 : i32 to vector<128x32xi32>
    %add3A_160 = arith.addi %min3A_156, %add3A_159 : vector<128x32xi32>
    %broadcast_in_dim3A_161 = vector.shape_cast %add3A_160 : vector<128x32xi32> to vector<1x128x32xi32>
    %swap3A = arith.constant 0 : index
    %swap3A_162 = arith.constant 0 : index
    %swap3A_163 = arith.constant 0 : index
    %swap3A_164 = vector.load %arg4[%swap3A, %swap3A_162, %swap3A_163] : memref<1x128x32xi32, #tpu.memory_space<vmem>>, vector<1x128x32xi32>
    tpu.vector_store %arg4[%swap3A, %swap3A_162, %swap3A_163], %broadcast_in_dim3A_161 {strides = array<i32>} : memref<1x128x32xi32, #tpu.memory_space<vmem>>, vector<1x128x32xi32>,
    return
  }
  func.func @transform_0(%arg0: i32, %arg1: i32) -> (i32, i32, i32) {
    %c0_i32 = arith.constant 0 : i32
    %c0_i32_0 = arith.constant 0 : i32
    return %arg0, %arg1, %c0_i32 : i32, i32, i32
  }
  func.func @transform_1(%arg0: i32, %arg1: i32) -> (i32, i32, i32) {
    %c0_i32 = arith.constant 0 : i32
    %c0_i32_0 = arith.constant 0 : i32
    %c0_i32_1 = arith.constant 0 : i32
    return %arg0, %c0_i32, %c0_i32_0 : i32, i32, i32
  }
  func.func @transform_2(%arg0: i32, %arg1: i32) -> (i32, i32, i32) {
    %c0_i32 = arith.constant 0 : i32
    %c0_i32_0 = arith.constant 0 : i32
    return %arg0, %arg1, %c0_i32 : i32, i32, i32
  }
}

module attributes {stable_mosaic.version = 14 : i64} {
  func.func @_fps_body(%arg0: memref<16x3x512xf32, #tpu.memory_space<vmem>>, %arg1: memref<16x128xf32, #tpu.memory_space<vmem>>, %arg2: memref<16x128xf32, #tpu.memory_space<vmem>>, %arg3: memref<16x128xf32, #tpu.memory_space<vmem>>) attributes {dimension_semantics = [], scalar_prefetch = 0 : i64, scratch_operands = 0 : i64, tpu.core_type = #tpu.core_type<tc>} {
    %get3A = arith.constant 0 : index
    %get3A_0 = arith.constant 0 : index
    %get3A_1 = arith.constant 0 : index
    %get3A_2 = vector.load %arg0[%get3A, %get3A_0, %get3A_1] : memref<16x3x512xf32, #tpu.memory_space<vmem>>, vector<16x1x512xf32>
    %get3A_3 = vector.shape_cast %get3A_2 : vector<16x1x512xf32> to vector<16x512xf32>
    %get3A_4 = arith.constant 0 : index
    %get3A_5 = arith.constant 1 : index
    %get3A_6 = arith.constant 0 : index
    %get3A_7 = vector.load %arg0[%get3A_4, %get3A_5, %get3A_6] : memref<16x3x512xf32, #tpu.memory_space<vmem>>, vector<16x1x512xf32>
    %get3A_8 = vector.shape_cast %get3A_7 : vector<16x1x512xf32> to vector<16x512xf32>
    %get3A_9 = arith.constant 0 : index
    %get3A_10 = arith.constant 2 : index
    %get3A_11 = arith.constant 0 : index
    %get3A_12 = vector.load %arg0[%get3A_9, %get3A_10, %get3A_11] : memref<16x3x512xf32, #tpu.memory_space<vmem>>, vector<16x1x512xf32>
    %get3A_13 = vector.shape_cast %get3A_12 : vector<16x1x512xf32> to vector<16x512xf32>
    %iota3A = tpu.iota {dimensions = array<i32: 1>} : vector<16x512xi32>
    %iota3A_14 = tpu.iota {dimensions = array<i32: 1>} : vector<16x128xi32>
    %broadcast_in_dim3A = arith.constant 1.000000e+10 : f32
    %broadcast_in_dim3A_15 = vector.broadcast %broadcast_in_dim3A : f32 to vector<16x512xf32>
    %broadcast_in_dim3A_16 = arith.constant 0 : i32
    %broadcast_in_dim3A_17 = vector.broadcast %broadcast_in_dim3A_16 : i32 to vector<16x1xi32>
    %broadcast_in_dim3A_18 = arith.constant 0.000000e+00 : f32
    %broadcast_in_dim3A_19 = vector.broadcast %broadcast_in_dim3A_18 : f32 to vector<16x128xf32>
    %broadcast_in_dim3A_20 = arith.constant 0.000000e+00 : f32
    %broadcast_in_dim3A_21 = vector.broadcast %broadcast_in_dim3A_20 : f32 to vector<16x128xf32>
    %broadcast_in_dim3A_22 = arith.constant 0.000000e+00 : f32
    %broadcast_in_dim3A_23 = vector.broadcast %broadcast_in_dim3A_22 : f32 to vector<16x128xf32>
    %scan3A = arith.constant 0 : i32
    %scan3A_24 = arith.constant 128 : i32
    %scan3A_25 = arith.addi %scan3A, %scan3A_24 : i32
    %scan3A_26 = arith.constant 1 : i32
    %scan3A_27:5 = scf.for %scan3A_37 = %scan3A to %scan3A_25 step %scan3A_26 iter_args(%scan3A_38 = %broadcast_in_dim3A_15, %scan3A_39 = %broadcast_in_dim3A_17, %scan3A_40 = %broadcast_in_dim3A_19, %scan3A_41 = %broadcast_in_dim3A_21, %scan3A_42 = %broadcast_in_dim3A_23) -> (vector<16x512xf32>, vector<16x1xi32>, vector<16x128xf32>, vector<16x128xf32>, vector<16x128xf32>)  : i32 {
      %eq3A = vector.broadcast %scan3A_39 : vector<16x1xi32> to vector<16x512xi32>
      %eq3A_43 = arith.cmpi eq, %iota3A, %eq3A : vector<16x512xi32>
      %jit3A = arith.constant 0.000000e+00 : f32
      %broadcast_in_dim3A_44 = vector.broadcast %jit3A : f32 to vector<16x512xf32>
      %select_n3A = arith.select %eq3A_43, %get3A_3, %broadcast_in_dim3A_44 : vector<16x512xi1>, vector<16x512xf32>
      %reduce_sum3A = arith.constant dense<0.000000e+00> : vector<16xf32>
      %reduce_sum3A_45 = vector.multi_reduction <add>, %select_n3A, %reduce_sum3A [1] : vector<16x512xf32> to vector<16xf32>
      %broadcast_in_dim3A_46 = vector.shape_cast %reduce_sum3A_45 : vector<16xf32> to vector<16x1xf32>
      %jit3A_47 = arith.constant 0.000000e+00 : f32
      %broadcast_in_dim3A_48 = vector.broadcast %jit3A_47 : f32 to vector<16x512xf32>
      %select_n3A_49 = arith.select %eq3A_43, %get3A_8, %broadcast_in_dim3A_48 : vector<16x512xi1>, vector<16x512xf32>
      %reduce_sum3A_50 = arith.constant dense<0.000000e+00> : vector<16xf32>
      %reduce_sum3A_51 = vector.multi_reduction <add>, %select_n3A_49, %reduce_sum3A_50 [1] : vector<16x512xf32> to vector<16xf32>
      %broadcast_in_dim3A_52 = vector.shape_cast %reduce_sum3A_51 : vector<16xf32> to vector<16x1xf32>
      %jit3A_53 = arith.constant 0.000000e+00 : f32
      %broadcast_in_dim3A_54 = vector.broadcast %jit3A_53 : f32 to vector<16x512xf32>
      %select_n3A_55 = arith.select %eq3A_43, %get3A_13, %broadcast_in_dim3A_54 : vector<16x512xi1>, vector<16x512xf32>
      %reduce_sum3A_56 = arith.constant dense<0.000000e+00> : vector<16xf32>
      %reduce_sum3A_57 = vector.multi_reduction <add>, %select_n3A_55, %reduce_sum3A_56 [1] : vector<16x512xf32> to vector<16xf32>
      %broadcast_in_dim3A_58 = vector.shape_cast %reduce_sum3A_57 : vector<16xf32> to vector<16x1xf32>
      %eq3A_59 = vector.broadcast %scan3A_37 : i32 to vector<16x128xi32>
      %eq3A_60 = arith.cmpi eq, %iota3A_14, %eq3A_59 : vector<16x128xi32>
      %broadcast_in_dim3A_61 = vector.shape_cast %broadcast_in_dim3A_46 : vector<16x1xf32> to vector<16x1xf32>
      %broadcast_in_dim3A_62 = vector.broadcast %broadcast_in_dim3A_61 : vector<16x1xf32> to vector<16x128xf32>
      %select_n3A_63 = arith.select %eq3A_60, %broadcast_in_dim3A_62, %scan3A_40 : vector<16x128xi1>, vector<16x128xf32>
      %broadcast_in_dim3A_64 = vector.shape_cast %broadcast_in_dim3A_52 : vector<16x1xf32> to vector<16x1xf32>
      %broadcast_in_dim3A_65 = vector.broadcast %broadcast_in_dim3A_64 : vector<16x1xf32> to vector<16x128xf32>
      %select_n3A_66 = arith.select %eq3A_60, %broadcast_in_dim3A_65, %scan3A_41 : vector<16x128xi1>, vector<16x128xf32>
      %broadcast_in_dim3A_67 = vector.shape_cast %broadcast_in_dim3A_58 : vector<16x1xf32> to vector<16x1xf32>
      %broadcast_in_dim3A_68 = vector.broadcast %broadcast_in_dim3A_67 : vector<16x1xf32> to vector<16x128xf32>
      %select_n3A_69 = arith.select %eq3A_60, %broadcast_in_dim3A_68, %scan3A_42 : vector<16x128xi1>, vector<16x128xf32>
      %sub3A = vector.broadcast %broadcast_in_dim3A_46 : vector<16x1xf32> to vector<16x512xf32>
      %sub3A_70 = arith.subf %get3A_3, %sub3A : vector<16x512xf32>
      %sub3A_71 = vector.broadcast %broadcast_in_dim3A_52 : vector<16x1xf32> to vector<16x512xf32>
      %sub3A_72 = arith.subf %get3A_8, %sub3A_71 : vector<16x512xf32>
      %sub3A_73 = vector.broadcast %broadcast_in_dim3A_58 : vector<16x1xf32> to vector<16x512xf32>
      %sub3A_74 = arith.subf %get3A_13, %sub3A_73 : vector<16x512xf32>
      %mul3A = arith.mulf %sub3A_70, %sub3A_70 : vector<16x512xf32>
      %mul3A_75 = arith.mulf %sub3A_72, %sub3A_72 : vector<16x512xf32>
      %add3A = arith.addf %mul3A, %mul3A_75 : vector<16x512xf32>
      %mul3A_76 = arith.mulf %sub3A_74, %sub3A_74 : vector<16x512xf32>
      %add3A_77 = arith.addf %add3A, %mul3A_76 : vector<16x512xf32>
      %min3A = arith.minimumf %scan3A_38, %add3A_77 : vector<16x512xf32>
      %argmax3A = tpu.reduce_index %min3A {axis = 1 : i32, kind = #tpu.reduction_kind<arg_max>} : vector<16x512xf32> -> vector<16xi32>
      %reshape3A = vector.shape_cast %argmax3A : vector<16xi32> to vector<16x1xi32>
      scf.yield %min3A, %reshape3A, %select_n3A_63, %select_n3A_66, %select_n3A_69 : vector<16x512xf32>, vector<16x1xi32>, vector<16x128xf32>, vector<16x128xf32>, vector<16x128xf32>
    }
    %scan3A_28 = arith.constant 128 : i32
    %swap3A = arith.constant 0 : index
    %swap3A_29 = arith.constant 0 : index
    %swap3A_30 = vector.load %arg1[%swap3A, %swap3A_29] : memref<16x128xf32, #tpu.memory_space<vmem>>, vector<16x128xf32>
    tpu.vector_store %arg1[%swap3A, %swap3A_29], %scan3A_27#2 {strides = array<i32>} : memref<16x128xf32, #tpu.memory_space<vmem>>, vector<16x128xf32>,
    %swap3A_31 = arith.constant 0 : index
    %swap3A_32 = arith.constant 0 : index
    %swap3A_33 = vector.load %arg2[%swap3A_31, %swap3A_32] : memref<16x128xf32, #tpu.memory_space<vmem>>, vector<16x128xf32>
    tpu.vector_store %arg2[%swap3A_31, %swap3A_32], %scan3A_27#3 {strides = array<i32>} : memref<16x128xf32, #tpu.memory_space<vmem>>, vector<16x128xf32>,
    %swap3A_34 = arith.constant 0 : index
    %swap3A_35 = arith.constant 0 : index
    %swap3A_36 = vector.load %arg3[%swap3A_34, %swap3A_35] : memref<16x128xf32, #tpu.memory_space<vmem>>, vector<16x128xf32>
    tpu.vector_store %arg3[%swap3A_34, %swap3A_35], %scan3A_27#4 {strides = array<i32>} : memref<16x128xf32, #tpu.memory_space<vmem>>, vector<16x128xf32>,
    return
  }
}

module attributes {stable_mosaic.version = 14 : i64} {
  func.func @_bq_body(%arg0: i32, %arg1: i32, %arg2: memref<1x128x3xf32, #tpu.memory_space<vmem>>, %arg3: memref<1x3x512xf32, #tpu.memory_space<vmem>>, %arg4: memref<1x128x64xi32, #tpu.memory_space<vmem>>) attributes {dimension_semantics = [#tpu.dimension_semantics<arbitrary>, #tpu.dimension_semantics<arbitrary>], iteration_bounds = array<i64: 16, 1>, scalar_prefetch = 0 : i64, scratch_operands = 0 : i64, tpu.core_type = #tpu.core_type<tc>, window_params = [{transform_indices = @transform_0, window_bounds = array<i64: 1, 128, 3>}, {transform_indices = @transform_1, window_bounds = array<i64: 1, 3, 512>}, {transform_indices = @transform_2, window_bounds = array<i64: 1, 128, 64>}]} {
    %get3A = arith.constant 0 : index
    %get3A_0 = arith.constant 0 : index
    %get3A_1 = arith.constant 0 : index
    %get3A_2 = vector.load %arg2[%get3A, %get3A_0, %get3A_1] : memref<1x128x3xf32, #tpu.memory_space<vmem>>, vector<1x128x1xf32>
    %get3A_3 = vector.shape_cast %get3A_2 : vector<1x128x1xf32> to vector<128x1xf32>
    %get3A_4 = arith.constant 0 : index
    %get3A_5 = arith.constant 0 : index
    %get3A_6 = arith.constant 1 : index
    %get3A_7 = vector.load %arg2[%get3A_4, %get3A_5, %get3A_6] : memref<1x128x3xf32, #tpu.memory_space<vmem>>, vector<1x128x1xf32>
    %get3A_8 = vector.shape_cast %get3A_7 : vector<1x128x1xf32> to vector<128x1xf32>
    %get3A_9 = arith.constant 0 : index
    %get3A_10 = arith.constant 0 : index
    %get3A_11 = arith.constant 2 : index
    %get3A_12 = vector.load %arg2[%get3A_9, %get3A_10, %get3A_11] : memref<1x128x3xf32, #tpu.memory_space<vmem>>, vector<1x128x1xf32>
    %get3A_13 = vector.shape_cast %get3A_12 : vector<1x128x1xf32> to vector<128x1xf32>
    %get3A_14 = arith.constant 0 : index
    %get3A_15 = arith.constant 0 : index
    %get3A_16 = arith.constant 0 : index
    %get3A_17 = vector.load %arg3[%get3A_14, %get3A_15, %get3A_16] : memref<1x3x512xf32, #tpu.memory_space<vmem>>, vector<1x1x512xf32>
    %get3A_18 = vector.shape_cast %get3A_17 : vector<1x1x512xf32> to vector<1x512xf32>
    %get3A_19 = arith.constant 0 : index
    %get3A_20 = arith.constant 1 : index
    %get3A_21 = arith.constant 0 : index
    %get3A_22 = vector.load %arg3[%get3A_19, %get3A_20, %get3A_21] : memref<1x3x512xf32, #tpu.memory_space<vmem>>, vector<1x1x512xf32>
    %get3A_23 = vector.shape_cast %get3A_22 : vector<1x1x512xf32> to vector<1x512xf32>
    %get3A_24 = arith.constant 0 : index
    %get3A_25 = arith.constant 2 : index
    %get3A_26 = arith.constant 0 : index
    %get3A_27 = vector.load %arg3[%get3A_24, %get3A_25, %get3A_26] : memref<1x3x512xf32, #tpu.memory_space<vmem>>, vector<1x1x512xf32>
    %get3A_28 = vector.shape_cast %get3A_27 : vector<1x1x512xf32> to vector<1x512xf32>
    %bitcast_convert_type3A = tpu.bitcast %get3A_3 : vector<128x1xf32> -> vector<128x1xi32>
    %add3A = arith.constant 32767 : i32
    %add3A_29 = vector.broadcast %add3A : i32 to vector<128x1xi32>
    %add3A_30 = arith.addi %bitcast_convert_type3A, %add3A_29 : vector<128x1xi32>
    %shift_right_logical3A = arith.constant 16 : i32
    %shift_right_logical3A_31 = vector.broadcast %shift_right_logical3A : i32 to vector<128x1xi32>
    %shift_right_logical3A_32 = arith.shrui %bitcast_convert_type3A, %shift_right_logical3A_31 : vector<128x1xi32>
    %and3A = arith.constant 1 : i32
    %and3A_33 = vector.broadcast %and3A : i32 to vector<128x1xi32>
    %and3A_34 = arith.andi %shift_right_logical3A_32, %and3A_33 : vector<128x1xi32>
    %add3A_35 = arith.addi %add3A_30, %and3A_34 : vector<128x1xi32>
    %and3A_36 = arith.constant -65536 : i32
    %and3A_37 = vector.broadcast %and3A_36 : i32 to vector<128x1xi32>
    %and3A_38 = arith.andi %add3A_35, %and3A_37 : vector<128x1xi32>
    %bitcast_convert_type3A_39 = tpu.bitcast %and3A_38 : vector<128x1xi32> -> vector<128x1xf32>
    %bitcast_convert_type3A_40 = tpu.bitcast %get3A_18 : vector<1x512xf32> -> vector<1x512xi32>
    %add3A_41 = arith.constant 32767 : i32
    %add3A_42 = vector.broadcast %add3A_41 : i32 to vector<1x512xi32>
    %add3A_43 = arith.addi %bitcast_convert_type3A_40, %add3A_42 : vector<1x512xi32>
    %shift_right_logical3A_44 = arith.constant 16 : i32
    %shift_right_logical3A_45 = vector.broadcast %shift_right_logical3A_44 : i32 to vector<1x512xi32>
    %shift_right_logical3A_46 = arith.shrui %bitcast_convert_type3A_40, %shift_right_logical3A_45 : vector<1x512xi32>
    %and3A_47 = arith.constant 1 : i32
    %and3A_48 = vector.broadcast %and3A_47 : i32 to vector<1x512xi32>
    %and3A_49 = arith.andi %shift_right_logical3A_46, %and3A_48 : vector<1x512xi32>
    %add3A_50 = arith.addi %add3A_43, %and3A_49 : vector<1x512xi32>
    %and3A_51 = arith.constant -65536 : i32
    %and3A_52 = vector.broadcast %and3A_51 : i32 to vector<1x512xi32>
    %and3A_53 = arith.andi %add3A_50, %and3A_52 : vector<1x512xi32>
    %bitcast_convert_type3A_54 = tpu.bitcast %and3A_53 : vector<1x512xi32> -> vector<1x512xf32>
    %mul3A = vector.broadcast %bitcast_convert_type3A_39 : vector<128x1xf32> to vector<128x512xf32>
    %mul3A_55 = vector.broadcast %bitcast_convert_type3A_54 : vector<1x512xf32> to vector<128x512xf32>
    %mul3A_56 = arith.mulf %mul3A, %mul3A_55 : vector<128x512xf32>
    %bitcast_convert_type3A_57 = tpu.bitcast %get3A_8 : vector<128x1xf32> -> vector<128x1xi32>
    %add3A_58 = arith.constant 32767 : i32
    %add3A_59 = vector.broadcast %add3A_58 : i32 to vector<128x1xi32>
    %add3A_60 = arith.addi %bitcast_convert_type3A_57, %add3A_59 : vector<128x1xi32>
    %shift_right_logical3A_61 = arith.constant 16 : i32
    %shift_right_logical3A_62 = vector.broadcast %shift_right_logical3A_61 : i32 to vector<128x1xi32>
    %shift_right_logical3A_63 = arith.shrui %bitcast_convert_type3A_57, %shift_right_logical3A_62 : vector<128x1xi32>
    %and3A_64 = arith.constant 1 : i32
    %and3A_65 = vector.broadcast %and3A_64 : i32 to vector<128x1xi32>
    %and3A_66 = arith.andi %shift_right_logical3A_63, %and3A_65 : vector<128x1xi32>
    %add3A_67 = arith.addi %add3A_60, %and3A_66 : vector<128x1xi32>
    %and3A_68 = arith.constant -65536 : i32
    %and3A_69 = vector.broadcast %and3A_68 : i32 to vector<128x1xi32>
    %and3A_70 = arith.andi %add3A_67, %and3A_69 : vector<128x1xi32>
    %bitcast_convert_type3A_71 = tpu.bitcast %and3A_70 : vector<128x1xi32> -> vector<128x1xf32>
    %bitcast_convert_type3A_72 = tpu.bitcast %get3A_23 : vector<1x512xf32> -> vector<1x512xi32>
    %add3A_73 = arith.constant 32767 : i32
    %add3A_74 = vector.broadcast %add3A_73 : i32 to vector<1x512xi32>
    %add3A_75 = arith.addi %bitcast_convert_type3A_72, %add3A_74 : vector<1x512xi32>
    %shift_right_logical3A_76 = arith.constant 16 : i32
    %shift_right_logical3A_77 = vector.broadcast %shift_right_logical3A_76 : i32 to vector<1x512xi32>
    %shift_right_logical3A_78 = arith.shrui %bitcast_convert_type3A_72, %shift_right_logical3A_77 : vector<1x512xi32>
    %and3A_79 = arith.constant 1 : i32
    %and3A_80 = vector.broadcast %and3A_79 : i32 to vector<1x512xi32>
    %and3A_81 = arith.andi %shift_right_logical3A_78, %and3A_80 : vector<1x512xi32>
    %add3A_82 = arith.addi %add3A_75, %and3A_81 : vector<1x512xi32>
    %and3A_83 = arith.constant -65536 : i32
    %and3A_84 = vector.broadcast %and3A_83 : i32 to vector<1x512xi32>
    %and3A_85 = arith.andi %add3A_82, %and3A_84 : vector<1x512xi32>
    %bitcast_convert_type3A_86 = tpu.bitcast %and3A_85 : vector<1x512xi32> -> vector<1x512xf32>
    %mul3A_87 = vector.broadcast %bitcast_convert_type3A_71 : vector<128x1xf32> to vector<128x512xf32>
    %mul3A_88 = vector.broadcast %bitcast_convert_type3A_86 : vector<1x512xf32> to vector<128x512xf32>
    %mul3A_89 = arith.mulf %mul3A_87, %mul3A_88 : vector<128x512xf32>
    %add3A_90 = arith.addf %mul3A_56, %mul3A_89 : vector<128x512xf32>
    %bitcast_convert_type3A_91 = tpu.bitcast %get3A_13 : vector<128x1xf32> -> vector<128x1xi32>
    %add3A_92 = arith.constant 32767 : i32
    %add3A_93 = vector.broadcast %add3A_92 : i32 to vector<128x1xi32>
    %add3A_94 = arith.addi %bitcast_convert_type3A_91, %add3A_93 : vector<128x1xi32>
    %shift_right_logical3A_95 = arith.constant 16 : i32
    %shift_right_logical3A_96 = vector.broadcast %shift_right_logical3A_95 : i32 to vector<128x1xi32>
    %shift_right_logical3A_97 = arith.shrui %bitcast_convert_type3A_91, %shift_right_logical3A_96 : vector<128x1xi32>
    %and3A_98 = arith.constant 1 : i32
    %and3A_99 = vector.broadcast %and3A_98 : i32 to vector<128x1xi32>
    %and3A_100 = arith.andi %shift_right_logical3A_97, %and3A_99 : vector<128x1xi32>
    %add3A_101 = arith.addi %add3A_94, %and3A_100 : vector<128x1xi32>
    %and3A_102 = arith.constant -65536 : i32
    %and3A_103 = vector.broadcast %and3A_102 : i32 to vector<128x1xi32>
    %and3A_104 = arith.andi %add3A_101, %and3A_103 : vector<128x1xi32>
    %bitcast_convert_type3A_105 = tpu.bitcast %and3A_104 : vector<128x1xi32> -> vector<128x1xf32>
    %bitcast_convert_type3A_106 = tpu.bitcast %get3A_28 : vector<1x512xf32> -> vector<1x512xi32>
    %add3A_107 = arith.constant 32767 : i32
    %add3A_108 = vector.broadcast %add3A_107 : i32 to vector<1x512xi32>
    %add3A_109 = arith.addi %bitcast_convert_type3A_106, %add3A_108 : vector<1x512xi32>
    %shift_right_logical3A_110 = arith.constant 16 : i32
    %shift_right_logical3A_111 = vector.broadcast %shift_right_logical3A_110 : i32 to vector<1x512xi32>
    %shift_right_logical3A_112 = arith.shrui %bitcast_convert_type3A_106, %shift_right_logical3A_111 : vector<1x512xi32>
    %and3A_113 = arith.constant 1 : i32
    %and3A_114 = vector.broadcast %and3A_113 : i32 to vector<1x512xi32>
    %and3A_115 = arith.andi %shift_right_logical3A_112, %and3A_114 : vector<1x512xi32>
    %add3A_116 = arith.addi %add3A_109, %and3A_115 : vector<1x512xi32>
    %and3A_117 = arith.constant -65536 : i32
    %and3A_118 = vector.broadcast %and3A_117 : i32 to vector<1x512xi32>
    %and3A_119 = arith.andi %add3A_116, %and3A_118 : vector<1x512xi32>
    %bitcast_convert_type3A_120 = tpu.bitcast %and3A_119 : vector<1x512xi32> -> vector<1x512xf32>
    %mul3A_121 = vector.broadcast %bitcast_convert_type3A_105 : vector<128x1xf32> to vector<128x512xf32>
    %mul3A_122 = vector.broadcast %bitcast_convert_type3A_120 : vector<1x512xf32> to vector<128x512xf32>
    %mul3A_123 = arith.mulf %mul3A_121, %mul3A_122 : vector<128x512xf32>
    %add3A_124 = arith.addf %add3A_90, %mul3A_123 : vector<128x512xf32>
    %mul3A_125 = arith.mulf %get3A_3, %get3A_3 : vector<128x1xf32>
    %mul3A_126 = arith.mulf %get3A_8, %get3A_8 : vector<128x1xf32>
    %add3A_127 = arith.addf %mul3A_125, %mul3A_126 : vector<128x1xf32>
    %mul3A_128 = arith.mulf %get3A_13, %get3A_13 : vector<128x1xf32>
    %add3A_129 = arith.addf %add3A_127, %mul3A_128 : vector<128x1xf32>
    %mul3A_130 = arith.mulf %get3A_18, %get3A_18 : vector<1x512xf32>
    %mul3A_131 = arith.mulf %get3A_23, %get3A_23 : vector<1x512xf32>
    %add3A_132 = arith.addf %mul3A_130, %mul3A_131 : vector<1x512xf32>
    %mul3A_133 = arith.mulf %get3A_28, %get3A_28 : vector<1x512xf32>
    %add3A_134 = arith.addf %add3A_132, %mul3A_133 : vector<1x512xf32>
    %add3A_135 = vector.broadcast %add3A_129 : vector<128x1xf32> to vector<128x512xf32>
    %add3A_136 = vector.broadcast %add3A_134 : vector<1x512xf32> to vector<128x512xf32>
    %add3A_137 = arith.addf %add3A_135, %add3A_136 : vector<128x512xf32>
    %mul3A_138 = arith.constant 2.000000e+00 : f32
    %mul3A_139 = vector.broadcast %mul3A_138 : f32 to vector<128x512xf32>
    %mul3A_140 = arith.mulf %mul3A_139, %add3A_124 : vector<128x512xf32>
    %sub3A = arith.subf %add3A_137, %mul3A_140 : vector<128x512xf32>
    %iota3A = tpu.iota {dimensions = array<i32: 1>} : vector<128x512xi32>
    %iota3A_141 = tpu.iota {dimensions = array<i32: 1>} : vector<128x64xi32>
    %le3A = arith.constant 1.600000e-01 : f32
    %le3A_142 = vector.broadcast %le3A : f32 to vector<128x512xf32>
    %le3A_143 = arith.cmpf ole, %sub3A, %le3A_142 : vector<128x512xf32>
    %jit3A = arith.constant 512 : i32
    %broadcast_in_dim3A = vector.broadcast %jit3A : i32 to vector<128x512xi32>
    %select_n3A = arith.select %le3A_143, %iota3A, %broadcast_in_dim3A : vector<128x512xi1>, vector<128x512xi32>
    %reduce_min3A = arith.constant dense<2147483647> : vector<128xi32>
    %reduce_min3A_144 = vector.multi_reduction <minsi>, %select_n3A, %reduce_min3A [1] : vector<128x512xi32> to vector<128xi32>
    %broadcast_in_dim3A_145 = vector.shape_cast %reduce_min3A_144 : vector<128xi32> to vector<128x1xi32>
    %broadcast_in_dim3A_146 = arith.constant 0 : i32
    %broadcast_in_dim3A_147 = vector.broadcast %broadcast_in_dim3A_146 : i32 to vector<128x64xi32>
    %while3A = arith.constant 512 : i32
    %while3A_148 = arith.constant 512 : i32
    %while3A_149 = arith.constant 0 : i32
    %while3A_150:3 = scf.while (%while3A_165 = %while3A_149, %while3A_166 = %broadcast_in_dim3A_145, %while3A_167 = %broadcast_in_dim3A_147) : (i32, vector<128x1xi32>, vector<128x64xi32>) -> (i32, vector<128x1xi32>, vector<128x64xi32>) {
      %lt3A = arith.constant 64 : i32
      %lt3A_168 = arith.cmpi slt, %while3A_165, %lt3A : i32
      %reduce_min3A_169 = vector.shape_cast %while3A_166 : vector<128x1xi32> to vector<1x128x1xi32>
      %reduce_min3A_170 = arith.constant dense<2147483647> : vector<1xi32>
      %reduce_min3A_171 = vector.multi_reduction <minsi>, %reduce_min3A_169, %reduce_min3A_170 [1, 2] : vector<1x128x1xi32> to vector<1xi32>
      %reduce_min3A_172 = vector.shape_cast %reduce_min3A_171 : vector<1xi32> to vector<1x1x1xi32>
      %reduce_min3A_173 = vector.extract %reduce_min3A_172[0, 0, 0] : i32 from vector<1x1x1xi32>
      %lt3A_174 = arith.cmpi slt, %reduce_min3A_173, %while3A : i32
      %and3A_175 = arith.andi %lt3A_168, %lt3A_174 : i1
      scf.condition(%and3A_175) %while3A_165, %while3A_166, %while3A_167 : i32, vector<128x1xi32>, vector<128x64xi32>
    } do {
    ^bb0(%while3A_165: i32, %while3A_166: vector<128x1xi32>, %while3A_167: vector<128x64xi32>):
      %eq3A = vector.broadcast %while3A_148 : i32 to vector<128x1xi32>
      %eq3A_168 = arith.cmpi eq, %while3A_166, %eq3A : vector<128x1xi32>
      %select_n3A_169 = arith.select %eq3A_168, %broadcast_in_dim3A_145, %while3A_166 : vector<128x1xi1>, vector<128x1xi32>
      %eq3A_170 = vector.broadcast %while3A_165 : i32 to vector<128x64xi32>
      %eq3A_171 = arith.cmpi eq, %iota3A_141, %eq3A_170 : vector<128x64xi32>
      %broadcast_in_dim3A_172 = vector.shape_cast %select_n3A_169 : vector<128x1xi32> to vector<128x1xi32>
      %broadcast_in_dim3A_173 = vector.broadcast %broadcast_in_dim3A_172 : vector<128x1xi32> to vector<128x64xi32>
      %select_n3A_174 = arith.select %eq3A_171, %broadcast_in_dim3A_173, %while3A_167 : vector<128x64xi1>, vector<128x64xi32>
      %gt3A = vector.broadcast %while3A_166 : vector<128x1xi32> to vector<128x512xi32>
      %gt3A_175 = arith.cmpi sgt, %select_n3A, %gt3A : vector<128x512xi32>
      %broadcast_in_dim3A_176 = vector.broadcast %while3A_148 : i32 to vector<128x512xi32>
      %select_n3A_177 = arith.select %gt3A_175, %select_n3A, %broadcast_in_dim3A_176 : vector<128x512xi1>, vector<128x512xi32>
      %reduce_min3A_178 = arith.constant dense<2147483647> : vector<128xi32>
      %reduce_min3A_179 = vector.multi_reduction <minsi>, %select_n3A_177, %reduce_min3A_178 [1] : vector<128x512xi32> to vector<128xi32>
      %broadcast_in_dim3A_180 = vector.shape_cast %reduce_min3A_179 : vector<128xi32> to vector<128x1xi32>
      %add3A_181 = arith.constant 1 : i32
      %add3A_182 = arith.addi %while3A_165, %add3A_181 : i32
      scf.yield %add3A_182, %broadcast_in_dim3A_180, %select_n3A_174 : i32, vector<128x1xi32>, vector<128x64xi32>
    }
    %ge3A = vector.broadcast %while3A_150#0 : i32 to vector<128x64xi32>
    %ge3A_151 = arith.cmpi sge, %iota3A_141, %ge3A : vector<128x64xi32>
    %broadcast_in_dim3A_152 = vector.shape_cast %broadcast_in_dim3A_145 : vector<128x1xi32> to vector<128x1xi32>
    %broadcast_in_dim3A_153 = vector.broadcast %broadcast_in_dim3A_152 : vector<128x1xi32> to vector<128x64xi32>
    %select_n3A_154 = arith.select %ge3A_151, %broadcast_in_dim3A_153, %while3A_150#2 : vector<128x64xi1>, vector<128x64xi32>
    %min3A = arith.constant 511 : i32
    %min3A_155 = vector.broadcast %min3A : i32 to vector<128x64xi32>
    %min3A_156 = arith.minsi %select_n3A_154, %min3A_155 : vector<128x64xi32>
    %mul3A_157 = arith.constant 512 : i32
    %mul3A_158 = arith.muli %arg0, %mul3A_157 : i32
    %add3A_159 = vector.broadcast %mul3A_158 : i32 to vector<128x64xi32>
    %add3A_160 = arith.addi %min3A_156, %add3A_159 : vector<128x64xi32>
    %broadcast_in_dim3A_161 = vector.shape_cast %add3A_160 : vector<128x64xi32> to vector<1x128x64xi32>
    %swap3A = arith.constant 0 : index
    %swap3A_162 = arith.constant 0 : index
    %swap3A_163 = arith.constant 0 : index
    %swap3A_164 = vector.load %arg4[%swap3A, %swap3A_162, %swap3A_163] : memref<1x128x64xi32, #tpu.memory_space<vmem>>, vector<1x128x64xi32>
    tpu.vector_store %arg4[%swap3A, %swap3A_162, %swap3A_163], %broadcast_in_dim3A_161 {strides = array<i32>} : memref<1x128x64xi32, #tpu.memory_space<vmem>>, vector<1x128x64xi32>,
    return
  }
  func.func @transform_0(%arg0: i32, %arg1: i32) -> (i32, i32, i32) {
    %c0_i32 = arith.constant 0 : i32
    %c0_i32_0 = arith.constant 0 : i32
    return %arg0, %arg1, %c0_i32 : i32, i32, i32
  }
  func.func @transform_1(%arg0: i32, %arg1: i32) -> (i32, i32, i32) {
    %c0_i32 = arith.constant 0 : i32
    %c0_i32_0 = arith.constant 0 : i32
    %c0_i32_1 = arith.constant 0 : i32
    return %arg0, %c0_i32, %c0_i32_0 : i32, i32, i32
  }
  func.func @transform_2(%arg0: i32, %arg1: i32) -> (i32, i32, i32) {
    %c0_i32 = arith.constant 0 : i32
    %c0_i32_0 = arith.constant 0 : i32
    return %arg0, %arg1, %c0_i32 : i32, i32, i32
  }
}

module attributes {stable_mosaic.version = 14 : i64} {
  func.func @_mlpA_body(%arg0: i32, %arg1: memref<128x16xf32, #tpu.memory_space<vmem>>, %arg2: memref<4096x16xf32, #tpu.memory_space<vmem>>, %arg3: memref<16x64xf32, #tpu.memory_space<vmem>>, %arg4: memref<8x64xf32, #tpu.memory_space<vmem>>, %arg5: memref<4096x64xf32, #tpu.memory_space<vmem>>, %arg6: memref<8x64xf32, #tpu.memory_space<vmem>>) attributes {dimension_semantics = [#tpu.dimension_semantics<arbitrary>], iteration_bounds = array<i64: 64>, scalar_prefetch = 0 : i64, scratch_operands = 0 : i64, tpu.core_type = #tpu.core_type<tc>, window_params = [{transform_indices = @transform_0, window_bounds = array<i64: 128, 16>}, {transform_indices = @transform_1, window_bounds = array<i64: 4096, 16>}, {pipeline_mode = #tpu.pipeline_mode<synchronous>, transform_indices = @transform_2, window_bounds = array<i64: 16, 64>}, {pipeline_mode = #tpu.pipeline_mode<synchronous>, transform_indices = @transform_3, window_bounds = array<i64: 8, 64>}, {transform_indices = @transform_4, window_bounds = array<i64: 4096, 64>}, {pipeline_mode = #tpu.pipeline_mode<synchronous>, transform_indices = @transform_5, window_bounds = array<i64: 8, 64>}]} {
    %get3A = arith.constant 0 : index
    %get3A_0 = arith.constant 0 : index
    %get3A_1 = vector.load %arg2[%get3A, %get3A_0] : memref<4096x16xf32, #tpu.memory_space<vmem>>, vector<4096x16xf32>
    %reshape3A = vector.shape_cast %get3A_1 : vector<4096x16xf32> to vector<128x32x16xf32>
    %get3A_2 = arith.constant 0 : index
    %get3A_3 = arith.constant 0 : index
    %get3A_4 = vector.load %arg1[%get3A_2, %get3A_3] : memref<128x16xf32, #tpu.memory_space<vmem>>, vector<128x16xf32>
    %broadcast_in_dim3A = vector.shape_cast %get3A_4 : vector<128x16xf32> to vector<128x1x16xf32>
    %sub3A = vector.broadcast %broadcast_in_dim3A : vector<128x1x16xf32> to vector<128x32x16xf32>
    %sub3A_5 = arith.subf %reshape3A, %sub3A : vector<128x32x16xf32>
    %reshape3A_6 = vector.shape_cast %sub3A_5 : vector<128x32x16xf32> to vector<4096x16xf32>
    %get3A_7 = arith.constant 0 : index
    %get3A_8 = arith.constant 0 : index
    %get3A_9 = vector.load %arg3[%get3A_7, %get3A_8] : memref<16x64xf32, #tpu.memory_space<vmem>>, vector<16x64xf32>
    %dot_general3A = arith.constant dense<0.000000e+00> : vector<4096x64xf32>
    %dot_general3A_10 = tpu.matmul %reshape3A_6, %get3A_9, %dot_general3A {dimension_numbers = #tpu.dot_dimension_numbers<[1], [0], [0], [1], [0, 0, 1, 1], [], []>, transpose_lhs_hint = false} : vector<4096x16xf32>, vector<16x64xf32>, vector<4096x64xf32> -> vector<4096x64xf32>
    %get3A_11 = arith.constant 0 : index
    %get3A_12 = arith.constant 0 : index
    %get3A_13 = vector.load %arg4[%get3A_11, %get3A_12] : memref<8x64xf32, #tpu.memory_space<vmem>>, vector<1x64xf32>
    %add3A = vector.broadcast %get3A_13 : vector<1x64xf32> to vector<4096x64xf32>
    %add3A_14 = arith.addf %dot_general3A_10, %add3A : vector<4096x64xf32>
    %swap3A = arith.constant 0 : index
    %swap3A_15 = arith.constant 0 : index
    %swap3A_16 = vector.load %arg5[%swap3A, %swap3A_15] : memref<4096x64xf32, #tpu.memory_space<vmem>>, vector<4096x64xf32>
    tpu.vector_store %arg5[%swap3A, %swap3A_15], %add3A_14 {strides = array<i32>} : memref<4096x64xf32, #tpu.memory_space<vmem>>, vector<4096x64xf32>,
    %eq3A = arith.constant 0 : i32
    %eq3A_17 = arith.cmpi eq, %arg0, %eq3A : i32
    %convert_element_type3A = arith.extui %eq3A_17 : i1 to i32
    %cond3A = arith.constant 0 : i32
    %cond3A_18 = arith.cmpi ne, %convert_element_type3A, %cond3A : i32
    scf.if %cond3A_18 {
      %broadcast_in_dim3A_38 = arith.constant 0.000000e+00 : f32
      %broadcast_in_dim3A_39 = vector.broadcast %broadcast_in_dim3A_38 : f32 to vector<8x64xf32>
      %swap3A_40 = arith.constant 0 : index
      %swap3A_41 = arith.constant 0 : index
      %swap3A_42 = vector.load %arg6[%swap3A_40, %swap3A_41] : memref<8x64xf32, #tpu.memory_space<vmem>>, vector<8x64xf32>
      tpu.vector_store %arg6[%swap3A_40, %swap3A_41], %broadcast_in_dim3A_39 {strides = array<i32>} : memref<8x64xf32, #tpu.memory_space<vmem>>, vector<8x64xf32>,
    } else {
    }
    %get3A_19 = arith.constant 0 : index
    %get3A_20 = arith.constant 0 : index
    %get3A_21 = vector.load %arg6[%get3A_19, %get3A_20] : memref<8x64xf32, #tpu.memory_space<vmem>>, vector<1x64xf32>
    %reduce_sum3A = arith.constant dense<0.000000e+00> : vector<64xf32>
    %reduce_sum3A_22 = vector.multi_reduction <add>, %add3A_14, %reduce_sum3A [0] : vector<4096x64xf32> to vector<64xf32>
    %broadcast_in_dim3A_23 = vector.shape_cast %reduce_sum3A_22 : vector<64xf32> to vector<1x64xf32>
    %add3A_24 = arith.addf %get3A_21, %broadcast_in_dim3A_23 : vector<1x64xf32>
    %swap3A_25 = arith.constant 0 : index
    %swap3A_26 = arith.constant 0 : index
    %swap3A_27 = vector.load %arg6[%swap3A_25, %swap3A_26] : memref<8x64xf32, #tpu.memory_space<vmem>>, vector<1x64xf32>
    tpu.vector_store %arg6[%swap3A_25, %swap3A_26], %add3A_24 {strides = array<i32>} : memref<8x64xf32, #tpu.memory_space<vmem>>, vector<1x64xf32>,
    %get3A_28 = arith.constant 1 : index
    %get3A_29 = arith.constant 0 : index
    %get3A_30 = vector.load %arg6[%get3A_28, %get3A_29] : memref<8x64xf32, #tpu.memory_space<vmem>>, vector<1x64xf32>
    %mul3A = arith.mulf %add3A_14, %add3A_14 : vector<4096x64xf32>
    %reduce_sum3A_31 = arith.constant dense<0.000000e+00> : vector<64xf32>
    %reduce_sum3A_32 = vector.multi_reduction <add>, %mul3A, %reduce_sum3A_31 [0] : vector<4096x64xf32> to vector<64xf32>
    %broadcast_in_dim3A_33 = vector.shape_cast %reduce_sum3A_32 : vector<64xf32> to vector<1x64xf32>
    %add3A_34 = arith.addf %get3A_30, %broadcast_in_dim3A_33 : vector<1x64xf32>
    %swap3A_35 = arith.constant 1 : index
    %swap3A_36 = arith.constant 0 : index
    %swap3A_37 = vector.load %arg6[%swap3A_35, %swap3A_36] : memref<8x64xf32, #tpu.memory_space<vmem>>, vector<1x64xf32>
    tpu.vector_store %arg6[%swap3A_35, %swap3A_36], %add3A_34 {strides = array<i32>} : memref<8x64xf32, #tpu.memory_space<vmem>>, vector<1x64xf32>,
    return
  }
  func.func @transform_0(%arg0: i32) -> (i32, i32) {
    %c0_i32 = arith.constant 0 : i32
    %c0_i32_0 = arith.constant 0 : i32
    return %arg0, %c0_i32 : i32, i32
  }
  func.func @transform_1(%arg0: i32) -> (i32, i32) {
    %c0_i32 = arith.constant 0 : i32
    %c0_i32_0 = arith.constant 0 : i32
    return %arg0, %c0_i32 : i32, i32
  }
  func.func @transform_2(%arg0: i32) -> (i32, i32) {
    %c0_i32 = arith.constant 0 : i32
    %c0_i32_0 = arith.constant 0 : i32
    %c0_i32_1 = arith.constant 0 : i32
    return %c0_i32, %c0_i32_0 : i32, i32
  }
  func.func @transform_3(%arg0: i32) -> (i32, i32) {
    %c0_i32 = arith.constant 0 : i32
    %c0_i32_0 = arith.constant 0 : i32
    %c0_i32_1 = arith.constant 0 : i32
    return %c0_i32, %c0_i32_0 : i32, i32
  }
  func.func @transform_4(%arg0: i32) -> (i32, i32) {
    %c0_i32 = arith.constant 0 : i32
    %c0_i32_0 = arith.constant 0 : i32
    return %arg0, %c0_i32 : i32, i32
  }
  func.func @transform_5(%arg0: i32) -> (i32, i32) {
    %c0_i32 = arith.constant 0 : i32
    %c0_i32_0 = arith.constant 0 : i32
    %c0_i32_1 = arith.constant 0 : i32
    return %c0_i32, %c0_i32_0 : i32, i32
  }
}

module attributes {stable_mosaic.version = 14 : i64} {
  func.func @_mlpB_body(%arg0: i32, %arg1: memref<8x64xf32, #tpu.memory_space<vmem>>, %arg2: memref<4096x64xf32, #tpu.memory_space<vmem>>, %arg3: memref<64x64xf32, #tpu.memory_space<vmem>>, %arg4: memref<8x64xf32, #tpu.memory_space<vmem>>, %arg5: memref<4096x64xf32, #tpu.memory_space<vmem>>, %arg6: memref<8x64xf32, #tpu.memory_space<vmem>>) attributes {dimension_semantics = [#tpu.dimension_semantics<arbitrary>], iteration_bounds = array<i64: 64>, scalar_prefetch = 0 : i64, scratch_operands = 0 : i64, tpu.core_type = #tpu.core_type<tc>, window_params = [{pipeline_mode = #tpu.pipeline_mode<synchronous>, transform_indices = @transform_0, window_bounds = array<i64: 8, 64>}, {transform_indices = @transform_1, window_bounds = array<i64: 4096, 64>}, {pipeline_mode = #tpu.pipeline_mode<synchronous>, transform_indices = @transform_2, window_bounds = array<i64: 64, 64>}, {pipeline_mode = #tpu.pipeline_mode<synchronous>, transform_indices = @transform_3, window_bounds = array<i64: 8, 64>}, {transform_indices = @transform_4, window_bounds = array<i64: 4096, 64>}, {pipeline_mode = #tpu.pipeline_mode<synchronous>, transform_indices = @transform_5, window_bounds = array<i64: 8, 64>}]} {
    %get3A = arith.constant 0 : index
    %get3A_0 = arith.constant 0 : index
    %get3A_1 = vector.load %arg2[%get3A, %get3A_0] : memref<4096x64xf32, #tpu.memory_space<vmem>>, vector<4096x64xf32>
    %get3A_2 = arith.constant 0 : index
    %get3A_3 = arith.constant 0 : index
    %get3A_4 = vector.load %arg1[%get3A_2, %get3A_3] : memref<8x64xf32, #tpu.memory_space<vmem>>, vector<1x64xf32>
    %mul3A = vector.broadcast %get3A_4 : vector<1x64xf32> to vector<4096x64xf32>
    %mul3A_5 = arith.mulf %get3A_1, %mul3A : vector<4096x64xf32>
    %get3A_6 = arith.constant 1 : index
    %get3A_7 = arith.constant 0 : index
    %get3A_8 = vector.load %arg1[%get3A_6, %get3A_7] : memref<8x64xf32, #tpu.memory_space<vmem>>, vector<1x64xf32>
    %add3A = vector.broadcast %get3A_8 : vector<1x64xf32> to vector<4096x64xf32>
    %add3A_9 = arith.addf %mul3A_5, %add3A : vector<4096x64xf32>
    %max3A = arith.constant 0.000000e+00 : f32
    %max3A_10 = vector.broadcast %max3A : f32 to vector<4096x64xf32>
    %max3A_11 = arith.maximumf %add3A_9, %max3A_10 : vector<4096x64xf32>
    %get3A_12 = arith.constant 0 : index
    %get3A_13 = arith.constant 0 : index
    %get3A_14 = vector.load %arg3[%get3A_12, %get3A_13] : memref<64x64xf32, #tpu.memory_space<vmem>>, vector<64x64xf32>
    %dot_general3A = arith.constant dense<0.000000e+00> : vector<4096x64xf32>
    %dot_general3A_15 = tpu.matmul %max3A_11, %get3A_14, %dot_general3A {dimension_numbers = #tpu.dot_dimension_numbers<[1], [0], [0], [1], [0, 0, 1, 1], [], []>, transpose_lhs_hint = false} : vector<4096x64xf32>, vector<64x64xf32>, vector<4096x64xf32> -> vector<4096x64xf32>
    %get3A_16 = arith.constant 0 : index
    %get3A_17 = arith.constant 0 : index
    %get3A_18 = vector.load %arg4[%get3A_16, %get3A_17] : memref<8x64xf32, #tpu.memory_space<vmem>>, vector<1x64xf32>
    %add3A_19 = vector.broadcast %get3A_18 : vector<1x64xf32> to vector<4096x64xf32>
    %add3A_20 = arith.addf %dot_general3A_15, %add3A_19 : vector<4096x64xf32>
    %swap3A = arith.constant 0 : index
    %swap3A_21 = arith.constant 0 : index
    %swap3A_22 = vector.load %arg5[%swap3A, %swap3A_21] : memref<4096x64xf32, #tpu.memory_space<vmem>>, vector<4096x64xf32>
    tpu.vector_store %arg5[%swap3A, %swap3A_21], %add3A_20 {strides = array<i32>} : memref<4096x64xf32, #tpu.memory_space<vmem>>, vector<4096x64xf32>,
    %eq3A = arith.constant 0 : i32
    %eq3A_23 = arith.cmpi eq, %arg0, %eq3A : i32
    %convert_element_type3A = arith.extui %eq3A_23 : i1 to i32
    %cond3A = arith.constant 0 : i32
    %cond3A_24 = arith.cmpi ne, %convert_element_type3A, %cond3A : i32
    scf.if %cond3A_24 {
      %broadcast_in_dim3A_44 = arith.constant 0.000000e+00 : f32
      %broadcast_in_dim3A_45 = vector.broadcast %broadcast_in_dim3A_44 : f32 to vector<8x64xf32>
      %swap3A_46 = arith.constant 0 : index
      %swap3A_47 = arith.constant 0 : index
      %swap3A_48 = vector.load %arg6[%swap3A_46, %swap3A_47] : memref<8x64xf32, #tpu.memory_space<vmem>>, vector<8x64xf32>
      tpu.vector_store %arg6[%swap3A_46, %swap3A_47], %broadcast_in_dim3A_45 {strides = array<i32>} : memref<8x64xf32, #tpu.memory_space<vmem>>, vector<8x64xf32>,
    } else {
    }
    %get3A_25 = arith.constant 0 : index
    %get3A_26 = arith.constant 0 : index
    %get3A_27 = vector.load %arg6[%get3A_25, %get3A_26] : memref<8x64xf32, #tpu.memory_space<vmem>>, vector<1x64xf32>
    %reduce_sum3A = arith.constant dense<0.000000e+00> : vector<64xf32>
    %reduce_sum3A_28 = vector.multi_reduction <add>, %add3A_20, %reduce_sum3A [0] : vector<4096x64xf32> to vector<64xf32>
    %broadcast_in_dim3A = vector.shape_cast %reduce_sum3A_28 : vector<64xf32> to vector<1x64xf32>
    %add3A_29 = arith.addf %get3A_27, %broadcast_in_dim3A : vector<1x64xf32>
    %swap3A_30 = arith.constant 0 : index
    %swap3A_31 = arith.constant 0 : index
    %swap3A_32 = vector.load %arg6[%swap3A_30, %swap3A_31] : memref<8x64xf32, #tpu.memory_space<vmem>>, vector<1x64xf32>
    tpu.vector_store %arg6[%swap3A_30, %swap3A_31], %add3A_29 {strides = array<i32>} : memref<8x64xf32, #tpu.memory_space<vmem>>, vector<1x64xf32>,
    %get3A_33 = arith.constant 1 : index
    %get3A_34 = arith.constant 0 : index
    %get3A_35 = vector.load %arg6[%get3A_33, %get3A_34] : memref<8x64xf32, #tpu.memory_space<vmem>>, vector<1x64xf32>
    %mul3A_36 = arith.mulf %add3A_20, %add3A_20 : vector<4096x64xf32>
    %reduce_sum3A_37 = arith.constant dense<0.000000e+00> : vector<64xf32>
    %reduce_sum3A_38 = vector.multi_reduction <add>, %mul3A_36, %reduce_sum3A_37 [0] : vector<4096x64xf32> to vector<64xf32>
    %broadcast_in_dim3A_39 = vector.shape_cast %reduce_sum3A_38 : vector<64xf32> to vector<1x64xf32>
    %add3A_40 = arith.addf %get3A_35, %broadcast_in_dim3A_39 : vector<1x64xf32>
    %swap3A_41 = arith.constant 1 : index
    %swap3A_42 = arith.constant 0 : index
    %swap3A_43 = vector.load %arg6[%swap3A_41, %swap3A_42] : memref<8x64xf32, #tpu.memory_space<vmem>>, vector<1x64xf32>
    tpu.vector_store %arg6[%swap3A_41, %swap3A_42], %add3A_40 {strides = array<i32>} : memref<8x64xf32, #tpu.memory_space<vmem>>, vector<1x64xf32>,
    return
  }
  func.func @transform_0(%arg0: i32) -> (i32, i32) {
    %c0_i32 = arith.constant 0 : i32
    %c0_i32_0 = arith.constant 0 : i32
    %c0_i32_1 = arith.constant 0 : i32
    return %c0_i32, %c0_i32_0 : i32, i32
  }
  func.func @transform_1(%arg0: i32) -> (i32, i32) {
    %c0_i32 = arith.constant 0 : i32
    %c0_i32_0 = arith.constant 0 : i32
    return %arg0, %c0_i32 : i32, i32
  }
  func.func @transform_2(%arg0: i32) -> (i32, i32) {
    %c0_i32 = arith.constant 0 : i32
    %c0_i32_0 = arith.constant 0 : i32
    %c0_i32_1 = arith.constant 0 : i32
    return %c0_i32, %c0_i32_0 : i32, i32
  }
  func.func @transform_3(%arg0: i32) -> (i32, i32) {
    %c0_i32 = arith.constant 0 : i32
    %c0_i32_0 = arith.constant 0 : i32
    %c0_i32_1 = arith.constant 0 : i32
    return %c0_i32, %c0_i32_0 : i32, i32
  }
  func.func @transform_4(%arg0: i32) -> (i32, i32) {
    %c0_i32 = arith.constant 0 : i32
    %c0_i32_0 = arith.constant 0 : i32
    return %arg0, %c0_i32 : i32, i32
  }
  func.func @transform_5(%arg0: i32) -> (i32, i32) {
    %c0_i32 = arith.constant 0 : i32
    %c0_i32_0 = arith.constant 0 : i32
    %c0_i32_1 = arith.constant 0 : i32
    return %c0_i32, %c0_i32_0 : i32, i32
  }
}

module attributes {stable_mosaic.version = 14 : i64} {
  func.func @_mlpB_body(%arg0: i32, %arg1: memref<8x64xf32, #tpu.memory_space<vmem>>, %arg2: memref<4096x64xf32, #tpu.memory_space<vmem>>, %arg3: memref<64x128xf32, #tpu.memory_space<vmem>>, %arg4: memref<8x128xf32, #tpu.memory_space<vmem>>, %arg5: memref<4096x128xf32, #tpu.memory_space<vmem>>, %arg6: memref<8x128xf32, #tpu.memory_space<vmem>>) attributes {dimension_semantics = [#tpu.dimension_semantics<arbitrary>], iteration_bounds = array<i64: 64>, scalar_prefetch = 0 : i64, scratch_operands = 0 : i64, tpu.core_type = #tpu.core_type<tc>, window_params = [{pipeline_mode = #tpu.pipeline_mode<synchronous>, transform_indices = @transform_0, window_bounds = array<i64: 8, 64>}, {transform_indices = @transform_1, window_bounds = array<i64: 4096, 64>}, {pipeline_mode = #tpu.pipeline_mode<synchronous>, transform_indices = @transform_2, window_bounds = array<i64: 64, 128>}, {pipeline_mode = #tpu.pipeline_mode<synchronous>, transform_indices = @transform_3, window_bounds = array<i64: 8, 128>}, {transform_indices = @transform_4, window_bounds = array<i64: 4096, 128>}, {pipeline_mode = #tpu.pipeline_mode<synchronous>, transform_indices = @transform_5, window_bounds = array<i64: 8, 128>}]} {
    %get3A = arith.constant 0 : index
    %get3A_0 = arith.constant 0 : index
    %get3A_1 = vector.load %arg2[%get3A, %get3A_0] : memref<4096x64xf32, #tpu.memory_space<vmem>>, vector<4096x64xf32>
    %get3A_2 = arith.constant 0 : index
    %get3A_3 = arith.constant 0 : index
    %get3A_4 = vector.load %arg1[%get3A_2, %get3A_3] : memref<8x64xf32, #tpu.memory_space<vmem>>, vector<1x64xf32>
    %mul3A = vector.broadcast %get3A_4 : vector<1x64xf32> to vector<4096x64xf32>
    %mul3A_5 = arith.mulf %get3A_1, %mul3A : vector<4096x64xf32>
    %get3A_6 = arith.constant 1 : index
    %get3A_7 = arith.constant 0 : index
    %get3A_8 = vector.load %arg1[%get3A_6, %get3A_7] : memref<8x64xf32, #tpu.memory_space<vmem>>, vector<1x64xf32>
    %add3A = vector.broadcast %get3A_8 : vector<1x64xf32> to vector<4096x64xf32>
    %add3A_9 = arith.addf %mul3A_5, %add3A : vector<4096x64xf32>
    %max3A = arith.constant 0.000000e+00 : f32
    %max3A_10 = vector.broadcast %max3A : f32 to vector<4096x64xf32>
    %max3A_11 = arith.maximumf %add3A_9, %max3A_10 : vector<4096x64xf32>
    %get3A_12 = arith.constant 0 : index
    %get3A_13 = arith.constant 0 : index
    %get3A_14 = vector.load %arg3[%get3A_12, %get3A_13] : memref<64x128xf32, #tpu.memory_space<vmem>>, vector<64x128xf32>
    %dot_general3A = arith.constant dense<0.000000e+00> : vector<4096x128xf32>
    %dot_general3A_15 = tpu.matmul %max3A_11, %get3A_14, %dot_general3A {dimension_numbers = #tpu.dot_dimension_numbers<[1], [0], [0], [1], [0, 0, 1, 1], [], []>, transpose_lhs_hint = false} : vector<4096x64xf32>, vector<64x128xf32>, vector<4096x128xf32> -> vector<4096x128xf32>
    %get3A_16 = arith.constant 0 : index
    %get3A_17 = arith.constant 0 : index
    %get3A_18 = vector.load %arg4[%get3A_16, %get3A_17] : memref<8x128xf32, #tpu.memory_space<vmem>>, vector<1x128xf32>
    %add3A_19 = vector.broadcast %get3A_18 : vector<1x128xf32> to vector<4096x128xf32>
    %add3A_20 = arith.addf %dot_general3A_15, %add3A_19 : vector<4096x128xf32>
    %swap3A = arith.constant 0 : index
    %swap3A_21 = arith.constant 0 : index
    %swap3A_22 = vector.load %arg5[%swap3A, %swap3A_21] : memref<4096x128xf32, #tpu.memory_space<vmem>>, vector<4096x128xf32>
    tpu.vector_store %arg5[%swap3A, %swap3A_21], %add3A_20 {strides = array<i32>} : memref<4096x128xf32, #tpu.memory_space<vmem>>, vector<4096x128xf32>,
    %eq3A = arith.constant 0 : i32
    %eq3A_23 = arith.cmpi eq, %arg0, %eq3A : i32
    %convert_element_type3A = arith.extui %eq3A_23 : i1 to i32
    %cond3A = arith.constant 0 : i32
    %cond3A_24 = arith.cmpi ne, %convert_element_type3A, %cond3A : i32
    scf.if %cond3A_24 {
      %broadcast_in_dim3A_44 = arith.constant 0.000000e+00 : f32
      %broadcast_in_dim3A_45 = vector.broadcast %broadcast_in_dim3A_44 : f32 to vector<8x128xf32>
      %swap3A_46 = arith.constant 0 : index
      %swap3A_47 = arith.constant 0 : index
      %swap3A_48 = vector.load %arg6[%swap3A_46, %swap3A_47] : memref<8x128xf32, #tpu.memory_space<vmem>>, vector<8x128xf32>
      tpu.vector_store %arg6[%swap3A_46, %swap3A_47], %broadcast_in_dim3A_45 {strides = array<i32>} : memref<8x128xf32, #tpu.memory_space<vmem>>, vector<8x128xf32>,
    } else {
    }
    %get3A_25 = arith.constant 0 : index
    %get3A_26 = arith.constant 0 : index
    %get3A_27 = vector.load %arg6[%get3A_25, %get3A_26] : memref<8x128xf32, #tpu.memory_space<vmem>>, vector<1x128xf32>
    %reduce_sum3A = arith.constant dense<0.000000e+00> : vector<128xf32>
    %reduce_sum3A_28 = vector.multi_reduction <add>, %add3A_20, %reduce_sum3A [0] : vector<4096x128xf32> to vector<128xf32>
    %broadcast_in_dim3A = vector.shape_cast %reduce_sum3A_28 : vector<128xf32> to vector<1x128xf32>
    %add3A_29 = arith.addf %get3A_27, %broadcast_in_dim3A : vector<1x128xf32>
    %swap3A_30 = arith.constant 0 : index
    %swap3A_31 = arith.constant 0 : index
    %swap3A_32 = vector.load %arg6[%swap3A_30, %swap3A_31] : memref<8x128xf32, #tpu.memory_space<vmem>>, vector<1x128xf32>
    tpu.vector_store %arg6[%swap3A_30, %swap3A_31], %add3A_29 {strides = array<i32>} : memref<8x128xf32, #tpu.memory_space<vmem>>, vector<1x128xf32>,
    %get3A_33 = arith.constant 1 : index
    %get3A_34 = arith.constant 0 : index
    %get3A_35 = vector.load %arg6[%get3A_33, %get3A_34] : memref<8x128xf32, #tpu.memory_space<vmem>>, vector<1x128xf32>
    %mul3A_36 = arith.mulf %add3A_20, %add3A_20 : vector<4096x128xf32>
    %reduce_sum3A_37 = arith.constant dense<0.000000e+00> : vector<128xf32>
    %reduce_sum3A_38 = vector.multi_reduction <add>, %mul3A_36, %reduce_sum3A_37 [0] : vector<4096x128xf32> to vector<128xf32>
    %broadcast_in_dim3A_39 = vector.shape_cast %reduce_sum3A_38 : vector<128xf32> to vector<1x128xf32>
    %add3A_40 = arith.addf %get3A_35, %broadcast_in_dim3A_39 : vector<1x128xf32>
    %swap3A_41 = arith.constant 1 : index
    %swap3A_42 = arith.constant 0 : index
    %swap3A_43 = vector.load %arg6[%swap3A_41, %swap3A_42] : memref<8x128xf32, #tpu.memory_space<vmem>>, vector<1x128xf32>
    tpu.vector_store %arg6[%swap3A_41, %swap3A_42], %add3A_40 {strides = array<i32>} : memref<8x128xf32, #tpu.memory_space<vmem>>, vector<1x128xf32>,
    return
  }
  func.func @transform_0(%arg0: i32) -> (i32, i32) {
    %c0_i32 = arith.constant 0 : i32
    %c0_i32_0 = arith.constant 0 : i32
    %c0_i32_1 = arith.constant 0 : i32
    return %c0_i32, %c0_i32_0 : i32, i32
  }
  func.func @transform_1(%arg0: i32) -> (i32, i32) {
    %c0_i32 = arith.constant 0 : i32
    %c0_i32_0 = arith.constant 0 : i32
    return %arg0, %c0_i32 : i32, i32
  }
  func.func @transform_2(%arg0: i32) -> (i32, i32) {
    %c0_i32 = arith.constant 0 : i32
    %c0_i32_0 = arith.constant 0 : i32
    %c0_i32_1 = arith.constant 0 : i32
    return %c0_i32, %c0_i32_0 : i32, i32
  }
  func.func @transform_3(%arg0: i32) -> (i32, i32) {
    %c0_i32 = arith.constant 0 : i32
    %c0_i32_0 = arith.constant 0 : i32
    %c0_i32_1 = arith.constant 0 : i32
    return %c0_i32, %c0_i32_0 : i32, i32
  }
  func.func @transform_4(%arg0: i32) -> (i32, i32) {
    %c0_i32 = arith.constant 0 : i32
    %c0_i32_0 = arith.constant 0 : i32
    return %arg0, %c0_i32 : i32, i32
  }
  func.func @transform_5(%arg0: i32) -> (i32, i32) {
    %c0_i32 = arith.constant 0 : i32
    %c0_i32_0 = arith.constant 0 : i32
    %c0_i32_1 = arith.constant 0 : i32
    return %c0_i32, %c0_i32_0 : i32, i32
  }
}

module attributes {stable_mosaic.version = 14 : i64} {
  func.func @_mlpD_body(%arg0: i32, %arg1: memref<8x128xf32, #tpu.memory_space<vmem>>, %arg2: memref<4096x128xf32, #tpu.memory_space<vmem>>, %arg3: memref<128x128xf32, #tpu.memory_space<vmem>>) attributes {dimension_semantics = [#tpu.dimension_semantics<arbitrary>], iteration_bounds = array<i64: 64>, scalar_prefetch = 0 : i64, scratch_operands = 0 : i64, tpu.core_type = #tpu.core_type<tc>, window_params = [{pipeline_mode = #tpu.pipeline_mode<synchronous>, transform_indices = @transform_0, window_bounds = array<i64: 8, 128>}, {transform_indices = @transform_1, window_bounds = array<i64: 4096, 128>}, {transform_indices = @transform_2, window_bounds = array<i64: 128, 128>}]} {
    %get3A = arith.constant 0 : index
    %get3A_0 = arith.constant 0 : index
    %get3A_1 = vector.load %arg2[%get3A, %get3A_0] : memref<4096x128xf32, #tpu.memory_space<vmem>>, vector<4096x128xf32>
    %get3A_2 = arith.constant 0 : index
    %get3A_3 = arith.constant 0 : index
    %get3A_4 = vector.load %arg1[%get3A_2, %get3A_3] : memref<8x128xf32, #tpu.memory_space<vmem>>, vector<1x128xf32>
    %mul3A = vector.broadcast %get3A_4 : vector<1x128xf32> to vector<4096x128xf32>
    %mul3A_5 = arith.mulf %get3A_1, %mul3A : vector<4096x128xf32>
    %get3A_6 = arith.constant 1 : index
    %get3A_7 = arith.constant 0 : index
    %get3A_8 = vector.load %arg1[%get3A_6, %get3A_7] : memref<8x128xf32, #tpu.memory_space<vmem>>, vector<1x128xf32>
    %add3A = vector.broadcast %get3A_8 : vector<1x128xf32> to vector<4096x128xf32>
    %add3A_9 = arith.addf %mul3A_5, %add3A : vector<4096x128xf32>
    %max3A = arith.constant 0.000000e+00 : f32
    %max3A_10 = vector.broadcast %max3A : f32 to vector<4096x128xf32>
    %max3A_11 = arith.maximumf %add3A_9, %max3A_10 : vector<4096x128xf32>
    %reshape3A = vector.shape_cast %max3A_11 : vector<4096x128xf32> to vector<128x32x128xf32>
    %reduce_max3A = arith.constant dense<0xFF800000> : vector<128x128xf32>
    %reduce_max3A_12 = vector.multi_reduction <maximumf>, %reshape3A, %reduce_max3A [1] : vector<128x32x128xf32> to vector<128x128xf32>
    %swap3A = arith.constant 0 : index
    %swap3A_13 = arith.constant 0 : index
    %swap3A_14 = vector.load %arg3[%swap3A, %swap3A_13] : memref<128x128xf32, #tpu.memory_space<vmem>>, vector<128x128xf32>
    tpu.vector_store %arg3[%swap3A, %swap3A_13], %reduce_max3A_12 {strides = array<i32>} : memref<128x128xf32, #tpu.memory_space<vmem>>, vector<128x128xf32>,
    return
  }
  func.func @transform_0(%arg0: i32) -> (i32, i32) {
    %c0_i32 = arith.constant 0 : i32
    %c0_i32_0 = arith.constant 0 : i32
    %c0_i32_1 = arith.constant 0 : i32
    return %c0_i32, %c0_i32_0 : i32, i32
  }
  func.func @transform_1(%arg0: i32) -> (i32, i32) {
    %c0_i32 = arith.constant 0 : i32
    %c0_i32_0 = arith.constant 0 : i32
    return %arg0, %c0_i32 : i32, i32
  }
  func.func @transform_2(%arg0: i32) -> (i32, i32) {
    %c0_i32 = arith.constant 0 : i32
    %c0_i32_0 = arith.constant 0 : i32
    return %arg0, %c0_i32 : i32, i32
  }
}

module attributes {stable_mosaic.version = 14 : i64} {
  func.func @_mlpA_body(%arg0: i32, %arg1: memref<32x144xf32, #tpu.memory_space<vmem>>, %arg2: memref<2048x144xf32, #tpu.memory_space<vmem>>, %arg3: memref<144x128xf32, #tpu.memory_space<vmem>>, %arg4: memref<8x128xf32, #tpu.memory_space<vmem>>, %arg5: memref<2048x128xf32, #tpu.memory_space<vmem>>, %arg6: memref<8x128xf32, #tpu.memory_space<vmem>>) attributes {dimension_semantics = [#tpu.dimension_semantics<arbitrary>], iteration_bounds = array<i64: 64>, scalar_prefetch = 0 : i64, scratch_operands = 0 : i64, tpu.core_type = #tpu.core_type<tc>, window_params = [{transform_indices = @transform_0, window_bounds = array<i64: 32, 144>}, {transform_indices = @transform_1, window_bounds = array<i64: 2048, 144>}, {pipeline_mode = #tpu.pipeline_mode<synchronous>, transform_indices = @transform_2, window_bounds = array<i64: 144, 128>}, {pipeline_mode = #tpu.pipeline_mode<synchronous>, transform_indices = @transform_3, window_bounds = array<i64: 8, 128>}, {transform_indices = @transform_4, window_bounds = array<i64: 2048, 128>}, {pipeline_mode = #tpu.pipeline_mode<synchronous>, transform_indices = @transform_5, window_bounds = array<i64: 8, 128>}]} {
    %get3A = arith.constant 0 : index
    %get3A_0 = arith.constant 0 : index
    %get3A_1 = vector.load %arg2[%get3A, %get3A_0] : memref<2048x144xf32, #tpu.memory_space<vmem>>, vector<2048x144xf32>
    %reshape3A = vector.shape_cast %get3A_1 : vector<2048x144xf32> to vector<32x64x144xf32>
    %get3A_2 = arith.constant 0 : index
    %get3A_3 = arith.constant 0 : index
    %get3A_4 = vector.load %arg1[%get3A_2, %get3A_3] : memref<32x144xf32, #tpu.memory_space<vmem>>, vector<32x144xf32>
    %broadcast_in_dim3A = vector.shape_cast %get3A_4 : vector<32x144xf32> to vector<32x1x144xf32>
    %sub3A = vector.broadcast %broadcast_in_dim3A : vector<32x1x144xf32> to vector<32x64x144xf32>
    %sub3A_5 = arith.subf %reshape3A, %sub3A : vector<32x64x144xf32>
    %reshape3A_6 = vector.shape_cast %sub3A_5 : vector<32x64x144xf32> to vector<2048x144xf32>
    %get3A_7 = arith.constant 0 : index
    %get3A_8 = arith.constant 0 : index
    %get3A_9 = vector.load %arg3[%get3A_7, %get3A_8] : memref<144x128xf32, #tpu.memory_space<vmem>>, vector<144x128xf32>
    %dot_general3A = arith.constant dense<0.000000e+00> : vector<2048x128xf32>
    %dot_general3A_10 = tpu.matmul %reshape3A_6, %get3A_9, %dot_general3A {dimension_numbers = #tpu.dot_dimension_numbers<[1], [0], [0], [1], [0, 0, 1, 1], [], []>, transpose_lhs_hint = false} : vector<2048x144xf32>, vector<144x128xf32>, vector<2048x128xf32> -> vector<2048x128xf32>
    %get3A_11 = arith.constant 0 : index
    %get3A_12 = arith.constant 0 : index
    %get3A_13 = vector.load %arg4[%get3A_11, %get3A_12] : memref<8x128xf32, #tpu.memory_space<vmem>>, vector<1x128xf32>
    %add3A = vector.broadcast %get3A_13 : vector<1x128xf32> to vector<2048x128xf32>
    %add3A_14 = arith.addf %dot_general3A_10, %add3A : vector<2048x128xf32>
    %swap3A = arith.constant 0 : index
    %swap3A_15 = arith.constant 0 : index
    %swap3A_16 = vector.load %arg5[%swap3A, %swap3A_15] : memref<2048x128xf32, #tpu.memory_space<vmem>>, vector<2048x128xf32>
    tpu.vector_store %arg5[%swap3A, %swap3A_15], %add3A_14 {strides = array<i32>} : memref<2048x128xf32, #tpu.memory_space<vmem>>, vector<2048x128xf32>,
    %eq3A = arith.constant 0 : i32
    %eq3A_17 = arith.cmpi eq, %arg0, %eq3A : i32
    %convert_element_type3A = arith.extui %eq3A_17 : i1 to i32
    %cond3A = arith.constant 0 : i32
    %cond3A_18 = arith.cmpi ne, %convert_element_type3A, %cond3A : i32
    scf.if %cond3A_18 {
      %broadcast_in_dim3A_38 = arith.constant 0.000000e+00 : f32
      %broadcast_in_dim3A_39 = vector.broadcast %broadcast_in_dim3A_38 : f32 to vector<8x128xf32>
      %swap3A_40 = arith.constant 0 : index
      %swap3A_41 = arith.constant 0 : index
      %swap3A_42 = vector.load %arg6[%swap3A_40, %swap3A_41] : memref<8x128xf32, #tpu.memory_space<vmem>>, vector<8x128xf32>
      tpu.vector_store %arg6[%swap3A_40, %swap3A_41], %broadcast_in_dim3A_39 {strides = array<i32>} : memref<8x128xf32, #tpu.memory_space<vmem>>, vector<8x128xf32>,
    } else {
    }
    %get3A_19 = arith.constant 0 : index
    %get3A_20 = arith.constant 0 : index
    %get3A_21 = vector.load %arg6[%get3A_19, %get3A_20] : memref<8x128xf32, #tpu.memory_space<vmem>>, vector<1x128xf32>
    %reduce_sum3A = arith.constant dense<0.000000e+00> : vector<128xf32>
    %reduce_sum3A_22 = vector.multi_reduction <add>, %add3A_14, %reduce_sum3A [0] : vector<2048x128xf32> to vector<128xf32>
    %broadcast_in_dim3A_23 = vector.shape_cast %reduce_sum3A_22 : vector<128xf32> to vector<1x128xf32>
    %add3A_24 = arith.addf %get3A_21, %broadcast_in_dim3A_23 : vector<1x128xf32>
    %swap3A_25 = arith.constant 0 : index
    %swap3A_26 = arith.constant 0 : index
    %swap3A_27 = vector.load %arg6[%swap3A_25, %swap3A_26] : memref<8x128xf32, #tpu.memory_space<vmem>>, vector<1x128xf32>
    tpu.vector_store %arg6[%swap3A_25, %swap3A_26], %add3A_24 {strides = array<i32>} : memref<8x128xf32, #tpu.memory_space<vmem>>, vector<1x128xf32>,
    %get3A_28 = arith.constant 1 : index
    %get3A_29 = arith.constant 0 : index
    %get3A_30 = vector.load %arg6[%get3A_28, %get3A_29] : memref<8x128xf32, #tpu.memory_space<vmem>>, vector<1x128xf32>
    %mul3A = arith.mulf %add3A_14, %add3A_14 : vector<2048x128xf32>
    %reduce_sum3A_31 = arith.constant dense<0.000000e+00> : vector<128xf32>
    %reduce_sum3A_32 = vector.multi_reduction <add>, %mul3A, %reduce_sum3A_31 [0] : vector<2048x128xf32> to vector<128xf32>
    %broadcast_in_dim3A_33 = vector.shape_cast %reduce_sum3A_32 : vector<128xf32> to vector<1x128xf32>
    %add3A_34 = arith.addf %get3A_30, %broadcast_in_dim3A_33 : vector<1x128xf32>
    %swap3A_35 = arith.constant 1 : index
    %swap3A_36 = arith.constant 0 : index
    %swap3A_37 = vector.load %arg6[%swap3A_35, %swap3A_36] : memref<8x128xf32, #tpu.memory_space<vmem>>, vector<1x128xf32>
    tpu.vector_store %arg6[%swap3A_35, %swap3A_36], %add3A_34 {strides = array<i32>} : memref<8x128xf32, #tpu.memory_space<vmem>>, vector<1x128xf32>,
    return
  }
  func.func @transform_0(%arg0: i32) -> (i32, i32) {
    %c0_i32 = arith.constant 0 : i32
    %c0_i32_0 = arith.constant 0 : i32
    return %arg0, %c0_i32 : i32, i32
  }
  func.func @transform_1(%arg0: i32) -> (i32, i32) {
    %c0_i32 = arith.constant 0 : i32
    %c0_i32_0 = arith.constant 0 : i32
    return %arg0, %c0_i32 : i32, i32
  }
  func.func @transform_2(%arg0: i32) -> (i32, i32) {
    %c0_i32 = arith.constant 0 : i32
    %c0_i32_0 = arith.constant 0 : i32
    %c0_i32_1 = arith.constant 0 : i32
    return %c0_i32, %c0_i32_0 : i32, i32
  }
  func.func @transform_3(%arg0: i32) -> (i32, i32) {
    %c0_i32 = arith.constant 0 : i32
    %c0_i32_0 = arith.constant 0 : i32
    %c0_i32_1 = arith.constant 0 : i32
    return %c0_i32, %c0_i32_0 : i32, i32
  }
  func.func @transform_4(%arg0: i32) -> (i32, i32) {
    %c0_i32 = arith.constant 0 : i32
    %c0_i32_0 = arith.constant 0 : i32
    return %arg0, %c0_i32 : i32, i32
  }
  func.func @transform_5(%arg0: i32) -> (i32, i32) {
    %c0_i32 = arith.constant 0 : i32
    %c0_i32_0 = arith.constant 0 : i32
    %c0_i32_1 = arith.constant 0 : i32
    return %c0_i32, %c0_i32_0 : i32, i32
  }
}

module attributes {stable_mosaic.version = 14 : i64} {
  func.func @_mlpB_body(%arg0: i32, %arg1: memref<8x128xf32, #tpu.memory_space<vmem>>, %arg2: memref<2048x128xf32, #tpu.memory_space<vmem>>, %arg3: memref<128x128xf32, #tpu.memory_space<vmem>>, %arg4: memref<8x128xf32, #tpu.memory_space<vmem>>, %arg5: memref<2048x128xf32, #tpu.memory_space<vmem>>, %arg6: memref<8x128xf32, #tpu.memory_space<vmem>>) attributes {dimension_semantics = [#tpu.dimension_semantics<arbitrary>], iteration_bounds = array<i64: 64>, scalar_prefetch = 0 : i64, scratch_operands = 0 : i64, tpu.core_type = #tpu.core_type<tc>, window_params = [{pipeline_mode = #tpu.pipeline_mode<synchronous>, transform_indices = @transform_0, window_bounds = array<i64: 8, 128>}, {transform_indices = @transform_1, window_bounds = array<i64: 2048, 128>}, {pipeline_mode = #tpu.pipeline_mode<synchronous>, transform_indices = @transform_2, window_bounds = array<i64: 128, 128>}, {pipeline_mode = #tpu.pipeline_mode<synchronous>, transform_indices = @transform_3, window_bounds = array<i64: 8, 128>}, {transform_indices = @transform_4, window_bounds = array<i64: 2048, 128>}, {pipeline_mode = #tpu.pipeline_mode<synchronous>, transform_indices = @transform_5, window_bounds = array<i64: 8, 128>}]} {
    %get3A = arith.constant 0 : index
    %get3A_0 = arith.constant 0 : index
    %get3A_1 = vector.load %arg2[%get3A, %get3A_0] : memref<2048x128xf32, #tpu.memory_space<vmem>>, vector<2048x128xf32>
    %get3A_2 = arith.constant 0 : index
    %get3A_3 = arith.constant 0 : index
    %get3A_4 = vector.load %arg1[%get3A_2, %get3A_3] : memref<8x128xf32, #tpu.memory_space<vmem>>, vector<1x128xf32>
    %mul3A = vector.broadcast %get3A_4 : vector<1x128xf32> to vector<2048x128xf32>
    %mul3A_5 = arith.mulf %get3A_1, %mul3A : vector<2048x128xf32>
    %get3A_6 = arith.constant 1 : index
    %get3A_7 = arith.constant 0 : index
    %get3A_8 = vector.load %arg1[%get3A_6, %get3A_7] : memref<8x128xf32, #tpu.memory_space<vmem>>, vector<1x128xf32>
    %add3A = vector.broadcast %get3A_8 : vector<1x128xf32> to vector<2048x128xf32>
    %add3A_9 = arith.addf %mul3A_5, %add3A : vector<2048x128xf32>
    %max3A = arith.constant 0.000000e+00 : f32
    %max3A_10 = vector.broadcast %max3A : f32 to vector<2048x128xf32>
    %max3A_11 = arith.maximumf %add3A_9, %max3A_10 : vector<2048x128xf32>
    %get3A_12 = arith.constant 0 : index
    %get3A_13 = arith.constant 0 : index
    %get3A_14 = vector.load %arg3[%get3A_12, %get3A_13] : memref<128x128xf32, #tpu.memory_space<vmem>>, vector<128x128xf32>
    %dot_general3A = arith.constant dense<0.000000e+00> : vector<2048x128xf32>
    %dot_general3A_15 = tpu.matmul %max3A_11, %get3A_14, %dot_general3A {dimension_numbers = #tpu.dot_dimension_numbers<[1], [0], [0], [1], [0, 0, 1, 1], [], []>, transpose_lhs_hint = false} : vector<2048x128xf32>, vector<128x128xf32>, vector<2048x128xf32> -> vector<2048x128xf32>
    %get3A_16 = arith.constant 0 : index
    %get3A_17 = arith.constant 0 : index
    %get3A_18 = vector.load %arg4[%get3A_16, %get3A_17] : memref<8x128xf32, #tpu.memory_space<vmem>>, vector<1x128xf32>
    %add3A_19 = vector.broadcast %get3A_18 : vector<1x128xf32> to vector<2048x128xf32>
    %add3A_20 = arith.addf %dot_general3A_15, %add3A_19 : vector<2048x128xf32>
    %swap3A = arith.constant 0 : index
    %swap3A_21 = arith.constant 0 : index
    %swap3A_22 = vector.load %arg5[%swap3A, %swap3A_21] : memref<2048x128xf32, #tpu.memory_space<vmem>>, vector<2048x128xf32>
    tpu.vector_store %arg5[%swap3A, %swap3A_21], %add3A_20 {strides = array<i32>} : memref<2048x128xf32, #tpu.memory_space<vmem>>, vector<2048x128xf32>,
    %eq3A = arith.constant 0 : i32
    %eq3A_23 = arith.cmpi eq, %arg0, %eq3A : i32
    %convert_element_type3A = arith.extui %eq3A_23 : i1 to i32
    %cond3A = arith.constant 0 : i32
    %cond3A_24 = arith.cmpi ne, %convert_element_type3A, %cond3A : i32
    scf.if %cond3A_24 {
      %broadcast_in_dim3A_44 = arith.constant 0.000000e+00 : f32
      %broadcast_in_dim3A_45 = vector.broadcast %broadcast_in_dim3A_44 : f32 to vector<8x128xf32>
      %swap3A_46 = arith.constant 0 : index
      %swap3A_47 = arith.constant 0 : index
      %swap3A_48 = vector.load %arg6[%swap3A_46, %swap3A_47] : memref<8x128xf32, #tpu.memory_space<vmem>>, vector<8x128xf32>
      tpu.vector_store %arg6[%swap3A_46, %swap3A_47], %broadcast_in_dim3A_45 {strides = array<i32>} : memref<8x128xf32, #tpu.memory_space<vmem>>, vector<8x128xf32>,
    } else {
    }
    %get3A_25 = arith.constant 0 : index
    %get3A_26 = arith.constant 0 : index
    %get3A_27 = vector.load %arg6[%get3A_25, %get3A_26] : memref<8x128xf32, #tpu.memory_space<vmem>>, vector<1x128xf32>
    %reduce_sum3A = arith.constant dense<0.000000e+00> : vector<128xf32>
    %reduce_sum3A_28 = vector.multi_reduction <add>, %add3A_20, %reduce_sum3A [0] : vector<2048x128xf32> to vector<128xf32>
    %broadcast_in_dim3A = vector.shape_cast %reduce_sum3A_28 : vector<128xf32> to vector<1x128xf32>
    %add3A_29 = arith.addf %get3A_27, %broadcast_in_dim3A : vector<1x128xf32>
    %swap3A_30 = arith.constant 0 : index
    %swap3A_31 = arith.constant 0 : index
    %swap3A_32 = vector.load %arg6[%swap3A_30, %swap3A_31] : memref<8x128xf32, #tpu.memory_space<vmem>>, vector<1x128xf32>
    tpu.vector_store %arg6[%swap3A_30, %swap3A_31], %add3A_29 {strides = array<i32>} : memref<8x128xf32, #tpu.memory_space<vmem>>, vector<1x128xf32>,
    %get3A_33 = arith.constant 1 : index
    %get3A_34 = arith.constant 0 : index
    %get3A_35 = vector.load %arg6[%get3A_33, %get3A_34] : memref<8x128xf32, #tpu.memory_space<vmem>>, vector<1x128xf32>
    %mul3A_36 = arith.mulf %add3A_20, %add3A_20 : vector<2048x128xf32>
    %reduce_sum3A_37 = arith.constant dense<0.000000e+00> : vector<128xf32>
    %reduce_sum3A_38 = vector.multi_reduction <add>, %mul3A_36, %reduce_sum3A_37 [0] : vector<2048x128xf32> to vector<128xf32>
    %broadcast_in_dim3A_39 = vector.shape_cast %reduce_sum3A_38 : vector<128xf32> to vector<1x128xf32>
    %add3A_40 = arith.addf %get3A_35, %broadcast_in_dim3A_39 : vector<1x128xf32>
    %swap3A_41 = arith.constant 1 : index
    %swap3A_42 = arith.constant 0 : index
    %swap3A_43 = vector.load %arg6[%swap3A_41, %swap3A_42] : memref<8x128xf32, #tpu.memory_space<vmem>>, vector<1x128xf32>
    tpu.vector_store %arg6[%swap3A_41, %swap3A_42], %add3A_40 {strides = array<i32>} : memref<8x128xf32, #tpu.memory_space<vmem>>, vector<1x128xf32>,
    return
  }
  func.func @transform_0(%arg0: i32) -> (i32, i32) {
    %c0_i32 = arith.constant 0 : i32
    %c0_i32_0 = arith.constant 0 : i32
    %c0_i32_1 = arith.constant 0 : i32
    return %c0_i32, %c0_i32_0 : i32, i32
  }
  func.func @transform_1(%arg0: i32) -> (i32, i32) {
    %c0_i32 = arith.constant 0 : i32
    %c0_i32_0 = arith.constant 0 : i32
    return %arg0, %c0_i32 : i32, i32
  }
  func.func @transform_2(%arg0: i32) -> (i32, i32) {
    %c0_i32 = arith.constant 0 : i32
    %c0_i32_0 = arith.constant 0 : i32
    %c0_i32_1 = arith.constant 0 : i32
    return %c0_i32, %c0_i32_0 : i32, i32
  }
  func.func @transform_3(%arg0: i32) -> (i32, i32) {
    %c0_i32 = arith.constant 0 : i32
    %c0_i32_0 = arith.constant 0 : i32
    %c0_i32_1 = arith.constant 0 : i32
    return %c0_i32, %c0_i32_0 : i32, i32
  }
  func.func @transform_4(%arg0: i32) -> (i32, i32) {
    %c0_i32 = arith.constant 0 : i32
    %c0_i32_0 = arith.constant 0 : i32
    return %arg0, %c0_i32 : i32, i32
  }
  func.func @transform_5(%arg0: i32) -> (i32, i32) {
    %c0_i32 = arith.constant 0 : i32
    %c0_i32_0 = arith.constant 0 : i32
    %c0_i32_1 = arith.constant 0 : i32
    return %c0_i32, %c0_i32_0 : i32, i32
  }
}

module attributes {stable_mosaic.version = 14 : i64} {
  func.func @_mlpB_body(%arg0: i32, %arg1: memref<8x128xf32, #tpu.memory_space<vmem>>, %arg2: memref<2048x128xf32, #tpu.memory_space<vmem>>, %arg3: memref<128x256xf32, #tpu.memory_space<vmem>>, %arg4: memref<8x256xf32, #tpu.memory_space<vmem>>, %arg5: memref<2048x256xf32, #tpu.memory_space<vmem>>, %arg6: memref<8x256xf32, #tpu.memory_space<vmem>>) attributes {dimension_semantics = [#tpu.dimension_semantics<arbitrary>], iteration_bounds = array<i64: 64>, scalar_prefetch = 0 : i64, scratch_operands = 0 : i64, tpu.core_type = #tpu.core_type<tc>, window_params = [{pipeline_mode = #tpu.pipeline_mode<synchronous>, transform_indices = @transform_0, window_bounds = array<i64: 8, 128>}, {transform_indices = @transform_1, window_bounds = array<i64: 2048, 128>}, {pipeline_mode = #tpu.pipeline_mode<synchronous>, transform_indices = @transform_2, window_bounds = array<i64: 128, 256>}, {pipeline_mode = #tpu.pipeline_mode<synchronous>, transform_indices = @transform_3, window_bounds = array<i64: 8, 256>}, {transform_indices = @transform_4, window_bounds = array<i64: 2048, 256>}, {pipeline_mode = #tpu.pipeline_mode<synchronous>, transform_indices = @transform_5, window_bounds = array<i64: 8, 256>}]} {
    %get3A = arith.constant 0 : index
    %get3A_0 = arith.constant 0 : index
    %get3A_1 = vector.load %arg2[%get3A, %get3A_0] : memref<2048x128xf32, #tpu.memory_space<vmem>>, vector<2048x128xf32>
    %get3A_2 = arith.constant 0 : index
    %get3A_3 = arith.constant 0 : index
    %get3A_4 = vector.load %arg1[%get3A_2, %get3A_3] : memref<8x128xf32, #tpu.memory_space<vmem>>, vector<1x128xf32>
    %mul3A = vector.broadcast %get3A_4 : vector<1x128xf32> to vector<2048x128xf32>
    %mul3A_5 = arith.mulf %get3A_1, %mul3A : vector<2048x128xf32>
    %get3A_6 = arith.constant 1 : index
    %get3A_7 = arith.constant 0 : index
    %get3A_8 = vector.load %arg1[%get3A_6, %get3A_7] : memref<8x128xf32, #tpu.memory_space<vmem>>, vector<1x128xf32>
    %add3A = vector.broadcast %get3A_8 : vector<1x128xf32> to vector<2048x128xf32>
    %add3A_9 = arith.addf %mul3A_5, %add3A : vector<2048x128xf32>
    %max3A = arith.constant 0.000000e+00 : f32
    %max3A_10 = vector.broadcast %max3A : f32 to vector<2048x128xf32>
    %max3A_11 = arith.maximumf %add3A_9, %max3A_10 : vector<2048x128xf32>
    %get3A_12 = arith.constant 0 : index
    %get3A_13 = arith.constant 0 : index
    %get3A_14 = vector.load %arg3[%get3A_12, %get3A_13] : memref<128x256xf32, #tpu.memory_space<vmem>>, vector<128x256xf32>
    %dot_general3A = arith.constant dense<0.000000e+00> : vector<2048x256xf32>
    %dot_general3A_15 = tpu.matmul %max3A_11, %get3A_14, %dot_general3A {dimension_numbers = #tpu.dot_dimension_numbers<[1], [0], [0], [1], [0, 0, 1, 1], [], []>, transpose_lhs_hint = false} : vector<2048x128xf32>, vector<128x256xf32>, vector<2048x256xf32> -> vector<2048x256xf32>
    %get3A_16 = arith.constant 0 : index
    %get3A_17 = arith.constant 0 : index
    %get3A_18 = vector.load %arg4[%get3A_16, %get3A_17] : memref<8x256xf32, #tpu.memory_space<vmem>>, vector<1x256xf32>
    %add3A_19 = vector.broadcast %get3A_18 : vector<1x256xf32> to vector<2048x256xf32>
    %add3A_20 = arith.addf %dot_general3A_15, %add3A_19 : vector<2048x256xf32>
    %swap3A = arith.constant 0 : index
    %swap3A_21 = arith.constant 0 : index
    %swap3A_22 = vector.load %arg5[%swap3A, %swap3A_21] : memref<2048x256xf32, #tpu.memory_space<vmem>>, vector<2048x256xf32>
    tpu.vector_store %arg5[%swap3A, %swap3A_21], %add3A_20 {strides = array<i32>} : memref<2048x256xf32, #tpu.memory_space<vmem>>, vector<2048x256xf32>,
    %eq3A = arith.constant 0 : i32
    %eq3A_23 = arith.cmpi eq, %arg0, %eq3A : i32
    %convert_element_type3A = arith.extui %eq3A_23 : i1 to i32
    %cond3A = arith.constant 0 : i32
    %cond3A_24 = arith.cmpi ne, %convert_element_type3A, %cond3A : i32
    scf.if %cond3A_24 {
      %broadcast_in_dim3A_44 = arith.constant 0.000000e+00 : f32
      %broadcast_in_dim3A_45 = vector.broadcast %broadcast_in_dim3A_44 : f32 to vector<8x256xf32>
      %swap3A_46 = arith.constant 0 : index
      %swap3A_47 = arith.constant 0 : index
      %swap3A_48 = vector.load %arg6[%swap3A_46, %swap3A_47] : memref<8x256xf32, #tpu.memory_space<vmem>>, vector<8x256xf32>
      tpu.vector_store %arg6[%swap3A_46, %swap3A_47], %broadcast_in_dim3A_45 {strides = array<i32>} : memref<8x256xf32, #tpu.memory_space<vmem>>, vector<8x256xf32>,
    } else {
    }
    %get3A_25 = arith.constant 0 : index
    %get3A_26 = arith.constant 0 : index
    %get3A_27 = vector.load %arg6[%get3A_25, %get3A_26] : memref<8x256xf32, #tpu.memory_space<vmem>>, vector<1x256xf32>
    %reduce_sum3A = arith.constant dense<0.000000e+00> : vector<256xf32>
    %reduce_sum3A_28 = vector.multi_reduction <add>, %add3A_20, %reduce_sum3A [0] : vector<2048x256xf32> to vector<256xf32>
    %broadcast_in_dim3A = vector.shape_cast %reduce_sum3A_28 : vector<256xf32> to vector<1x256xf32>
    %add3A_29 = arith.addf %get3A_27, %broadcast_in_dim3A : vector<1x256xf32>
    %swap3A_30 = arith.constant 0 : index
    %swap3A_31 = arith.constant 0 : index
    %swap3A_32 = vector.load %arg6[%swap3A_30, %swap3A_31] : memref<8x256xf32, #tpu.memory_space<vmem>>, vector<1x256xf32>
    tpu.vector_store %arg6[%swap3A_30, %swap3A_31], %add3A_29 {strides = array<i32>} : memref<8x256xf32, #tpu.memory_space<vmem>>, vector<1x256xf32>,
    %get3A_33 = arith.constant 1 : index
    %get3A_34 = arith.constant 0 : index
    %get3A_35 = vector.load %arg6[%get3A_33, %get3A_34] : memref<8x256xf32, #tpu.memory_space<vmem>>, vector<1x256xf32>
    %mul3A_36 = arith.mulf %add3A_20, %add3A_20 : vector<2048x256xf32>
    %reduce_sum3A_37 = arith.constant dense<0.000000e+00> : vector<256xf32>
    %reduce_sum3A_38 = vector.multi_reduction <add>, %mul3A_36, %reduce_sum3A_37 [0] : vector<2048x256xf32> to vector<256xf32>
    %broadcast_in_dim3A_39 = vector.shape_cast %reduce_sum3A_38 : vector<256xf32> to vector<1x256xf32>
    %add3A_40 = arith.addf %get3A_35, %broadcast_in_dim3A_39 : vector<1x256xf32>
    %swap3A_41 = arith.constant 1 : index
    %swap3A_42 = arith.constant 0 : index
    %swap3A_43 = vector.load %arg6[%swap3A_41, %swap3A_42] : memref<8x256xf32, #tpu.memory_space<vmem>>, vector<1x256xf32>
    tpu.vector_store %arg6[%swap3A_41, %swap3A_42], %add3A_40 {strides = array<i32>} : memref<8x256xf32, #tpu.memory_space<vmem>>, vector<1x256xf32>,
    return
  }
  func.func @transform_0(%arg0: i32) -> (i32, i32) {
    %c0_i32 = arith.constant 0 : i32
    %c0_i32_0 = arith.constant 0 : i32
    %c0_i32_1 = arith.constant 0 : i32
    return %c0_i32, %c0_i32_0 : i32, i32
  }
  func.func @transform_1(%arg0: i32) -> (i32, i32) {
    %c0_i32 = arith.constant 0 : i32
    %c0_i32_0 = arith.constant 0 : i32
    return %arg0, %c0_i32 : i32, i32
  }
  func.func @transform_2(%arg0: i32) -> (i32, i32) {
    %c0_i32 = arith.constant 0 : i32
    %c0_i32_0 = arith.constant 0 : i32
    %c0_i32_1 = arith.constant 0 : i32
    return %c0_i32, %c0_i32_0 : i32, i32
  }
  func.func @transform_3(%arg0: i32) -> (i32, i32) {
    %c0_i32 = arith.constant 0 : i32
    %c0_i32_0 = arith.constant 0 : i32
    %c0_i32_1 = arith.constant 0 : i32
    return %c0_i32, %c0_i32_0 : i32, i32
  }
  func.func @transform_4(%arg0: i32) -> (i32, i32) {
    %c0_i32 = arith.constant 0 : i32
    %c0_i32_0 = arith.constant 0 : i32
    return %arg0, %c0_i32 : i32, i32
  }
  func.func @transform_5(%arg0: i32) -> (i32, i32) {
    %c0_i32 = arith.constant 0 : i32
    %c0_i32_0 = arith.constant 0 : i32
    %c0_i32_1 = arith.constant 0 : i32
    return %c0_i32, %c0_i32_0 : i32, i32
  }
}

module attributes {stable_mosaic.version = 14 : i64} {
  func.func @_mlpD_body(%arg0: i32, %arg1: memref<8x256xf32, #tpu.memory_space<vmem>>, %arg2: memref<2048x256xf32, #tpu.memory_space<vmem>>, %arg3: memref<32x256xf32, #tpu.memory_space<vmem>>) attributes {dimension_semantics = [#tpu.dimension_semantics<arbitrary>], iteration_bounds = array<i64: 64>, scalar_prefetch = 0 : i64, scratch_operands = 0 : i64, tpu.core_type = #tpu.core_type<tc>, window_params = [{pipeline_mode = #tpu.pipeline_mode<synchronous>, transform_indices = @transform_0, window_bounds = array<i64: 8, 256>}, {transform_indices = @transform_1, window_bounds = array<i64: 2048, 256>}, {transform_indices = @transform_2, window_bounds = array<i64: 32, 256>}]} {
    %get3A = arith.constant 0 : index
    %get3A_0 = arith.constant 0 : index
    %get3A_1 = vector.load %arg2[%get3A, %get3A_0] : memref<2048x256xf32, #tpu.memory_space<vmem>>, vector<2048x256xf32>
    %get3A_2 = arith.constant 0 : index
    %get3A_3 = arith.constant 0 : index
    %get3A_4 = vector.load %arg1[%get3A_2, %get3A_3] : memref<8x256xf32, #tpu.memory_space<vmem>>, vector<1x256xf32>
    %mul3A = vector.broadcast %get3A_4 : vector<1x256xf32> to vector<2048x256xf32>
    %mul3A_5 = arith.mulf %get3A_1, %mul3A : vector<2048x256xf32>
    %get3A_6 = arith.constant 1 : index
    %get3A_7 = arith.constant 0 : index
    %get3A_8 = vector.load %arg1[%get3A_6, %get3A_7] : memref<8x256xf32, #tpu.memory_space<vmem>>, vector<1x256xf32>
    %add3A = vector.broadcast %get3A_8 : vector<1x256xf32> to vector<2048x256xf32>
    %add3A_9 = arith.addf %mul3A_5, %add3A : vector<2048x256xf32>
    %max3A = arith.constant 0.000000e+00 : f32
    %max3A_10 = vector.broadcast %max3A : f32 to vector<2048x256xf32>
    %max3A_11 = arith.maximumf %add3A_9, %max3A_10 : vector<2048x256xf32>
    %reshape3A = vector.shape_cast %max3A_11 : vector<2048x256xf32> to vector<32x64x256xf32>
    %reduce_max3A = arith.constant dense<0xFF800000> : vector<32x256xf32>
    %reduce_max3A_12 = vector.multi_reduction <maximumf>, %reshape3A, %reduce_max3A [1] : vector<32x64x256xf32> to vector<32x256xf32>
    %swap3A = arith.constant 0 : index
    %swap3A_13 = arith.constant 0 : index
    %swap3A_14 = vector.load %arg3[%swap3A, %swap3A_13] : memref<32x256xf32, #tpu.memory_space<vmem>>, vector<32x256xf32>
    tpu.vector_store %arg3[%swap3A, %swap3A_13], %reduce_max3A_12 {strides = array<i32>} : memref<32x256xf32, #tpu.memory_space<vmem>>, vector<32x256xf32>,
    return
  }
  func.func @transform_0(%arg0: i32) -> (i32, i32) {
    %c0_i32 = arith.constant 0 : i32
    %c0_i32_0 = arith.constant 0 : i32
    %c0_i32_1 = arith.constant 0 : i32
    return %c0_i32, %c0_i32_0 : i32, i32
  }
  func.func @transform_1(%arg0: i32) -> (i32, i32) {
    %c0_i32 = arith.constant 0 : i32
    %c0_i32_0 = arith.constant 0 : i32
    return %arg0, %c0_i32 : i32, i32
  }
  func.func @transform_2(%arg0: i32) -> (i32, i32) {
    %c0_i32 = arith.constant 0 : i32
    %c0_i32_0 = arith.constant 0 : i32
    return %arg0, %c0_i32 : i32, i32
  }
}

module attributes {stable_mosaic.version = 14 : i64} {
  func.func @_sa3_body(%arg0: memref<2048x259xf32, #tpu.memory_space<vmem>>, %arg1: memref<259x256xf32, #tpu.memory_space<vmem>>, %arg2: memref<8x256xf32, #tpu.memory_space<vmem>>, %arg3: memref<256x512xf32, #tpu.memory_space<vmem>>, %arg4: memref<8x512xf32, #tpu.memory_space<vmem>>, %arg5: memref<512x1024xf32, #tpu.memory_space<vmem>>, %arg6: memref<8x1024xf32, #tpu.memory_space<vmem>>, %arg7: memref<16x1024xf32, #tpu.memory_space<vmem>>) attributes {dimension_semantics = [], scalar_prefetch = 0 : i64, scratch_operands = 0 : i64, tpu.core_type = #tpu.core_type<tc>} {
    %get3A = arith.constant 0 : index
    %get3A_0 = arith.constant 0 : index
    %get3A_1 = vector.load %arg0[%get3A, %get3A_0] : memref<2048x259xf32, #tpu.memory_space<vmem>>, vector<2048x259xf32>
    %get3A_2 = arith.constant 0 : index
    %get3A_3 = arith.constant 0 : index
    %get3A_4 = vector.load %arg1[%get3A_2, %get3A_3] : memref<259x256xf32, #tpu.memory_space<vmem>>, vector<259x256xf32>
    %dot_general3A = arith.constant dense<0.000000e+00> : vector<2048x256xf32>
    %dot_general3A_5 = tpu.matmul %get3A_1, %get3A_4, %dot_general3A {dimension_numbers = #tpu.dot_dimension_numbers<[1], [0], [0], [1], [0, 0, 1, 1], [], []>, transpose_lhs_hint = false} : vector<2048x259xf32>, vector<259x256xf32>, vector<2048x256xf32> -> vector<2048x256xf32>
    %get3A_6 = arith.constant 0 : index
    %get3A_7 = arith.constant 0 : index
    %get3A_8 = vector.load %arg2[%get3A_6, %get3A_7] : memref<8x256xf32, #tpu.memory_space<vmem>>, vector<1x256xf32>
    %add3A = vector.broadcast %get3A_8 : vector<1x256xf32> to vector<2048x256xf32>
    %add3A_9 = arith.addf %dot_general3A_5, %add3A : vector<2048x256xf32>
    %reduce_sum3A = arith.constant dense<0.000000e+00> : vector<256xf32>
    %reduce_sum3A_10 = vector.multi_reduction <add>, %add3A_9, %reduce_sum3A [0] : vector<2048x256xf32> to vector<256xf32>
    %broadcast_in_dim3A = vector.shape_cast %reduce_sum3A_10 : vector<256xf32> to vector<1x256xf32>
    %div3A = arith.constant 2.048000e+03 : f32
    %div3A_11 = vector.broadcast %div3A : f32 to vector<1x256xf32>
    %div3A_12 = arith.divf %broadcast_in_dim3A, %div3A_11 : vector<1x256xf32>
    %sub3A = vector.broadcast %div3A_12 : vector<1x256xf32> to vector<2048x256xf32>
    %sub3A_13 = arith.subf %add3A_9, %sub3A : vector<2048x256xf32>
    %mul3A = arith.mulf %sub3A_13, %sub3A_13 : vector<2048x256xf32>
    %reduce_sum3A_14 = arith.constant dense<0.000000e+00> : vector<256xf32>
    %reduce_sum3A_15 = vector.multi_reduction <add>, %mul3A, %reduce_sum3A_14 [0] : vector<2048x256xf32> to vector<256xf32>
    %broadcast_in_dim3A_16 = vector.shape_cast %reduce_sum3A_15 : vector<256xf32> to vector<1x256xf32>
    %div3A_17 = arith.constant 2.048000e+03 : f32
    %div3A_18 = vector.broadcast %div3A_17 : f32 to vector<1x256xf32>
    %div3A_19 = arith.divf %broadcast_in_dim3A_16, %div3A_18 : vector<1x256xf32>
    %add3A_20 = arith.constant 9.99999974E-6 : f32
    %add3A_21 = vector.broadcast %add3A_20 : f32 to vector<1x256xf32>
    %add3A_22 = arith.addf %div3A_19, %add3A_21 : vector<1x256xf32>
    %sqrt3A = math.sqrt %add3A_22 : vector<1x256xf32>
    %div3A_23 = vector.broadcast %sqrt3A : vector<1x256xf32> to vector<2048x256xf32>
    %div3A_24 = arith.divf %sub3A_13, %div3A_23 : vector<2048x256xf32>
    %get3A_25 = arith.constant 1 : index
    %get3A_26 = arith.constant 0 : index
    %get3A_27 = vector.load %arg2[%get3A_25, %get3A_26] : memref<8x256xf32, #tpu.memory_space<vmem>>, vector<1x256xf32>
    %mul3A_28 = vector.broadcast %get3A_27 : vector<1x256xf32> to vector<2048x256xf32>
    %mul3A_29 = arith.mulf %div3A_24, %mul3A_28 : vector<2048x256xf32>
    %get3A_30 = arith.constant 2 : index
    %get3A_31 = arith.constant 0 : index
    %get3A_32 = vector.load %arg2[%get3A_30, %get3A_31] : memref<8x256xf32, #tpu.memory_space<vmem>>, vector<1x256xf32>
    %add3A_33 = vector.broadcast %get3A_32 : vector<1x256xf32> to vector<2048x256xf32>
    %add3A_34 = arith.addf %mul3A_29, %add3A_33 : vector<2048x256xf32>
    %max3A = arith.constant 0.000000e+00 : f32
    %max3A_35 = vector.broadcast %max3A : f32 to vector<2048x256xf32>
    %max3A_36 = arith.maximumf %add3A_34, %max3A_35 : vector<2048x256xf32>
    %get3A_37 = arith.constant 0 : index
    %get3A_38 = arith.constant 0 : index
    %get3A_39 = vector.load %arg3[%get3A_37, %get3A_38] : memref<256x512xf32, #tpu.memory_space<vmem>>, vector<256x512xf32>
    %dot_general3A_40 = arith.constant dense<0.000000e+00> : vector<2048x512xf32>
    %dot_general3A_41 = tpu.matmul %max3A_36, %get3A_39, %dot_general3A_40 {dimension_numbers = #tpu.dot_dimension_numbers<[1], [0], [0], [1], [0, 0, 1, 1], [], []>, transpose_lhs_hint = false} : vector<2048x256xf32>, vector<256x512xf32>, vector<2048x512xf32> -> vector<2048x512xf32>
    %get3A_42 = arith.constant 0 : index
    %get3A_43 = arith.constant 0 : index
    %get3A_44 = vector.load %arg4[%get3A_42, %get3A_43] : memref<8x512xf32, #tpu.memory_space<vmem>>, vector<1x512xf32>
    %add3A_45 = vector.broadcast %get3A_44 : vector<1x512xf32> to vector<2048x512xf32>
    %add3A_46 = arith.addf %dot_general3A_41, %add3A_45 : vector<2048x512xf32>
    %reduce_sum3A_47 = arith.constant dense<0.000000e+00> : vector<512xf32>
    %reduce_sum3A_48 = vector.multi_reduction <add>, %add3A_46, %reduce_sum3A_47 [0] : vector<2048x512xf32> to vector<512xf32>
    %broadcast_in_dim3A_49 = vector.shape_cast %reduce_sum3A_48 : vector<512xf32> to vector<1x512xf32>
    %div3A_50 = arith.constant 2.048000e+03 : f32
    %div3A_51 = vector.broadcast %div3A_50 : f32 to vector<1x512xf32>
    %div3A_52 = arith.divf %broadcast_in_dim3A_49, %div3A_51 : vector<1x512xf32>
    %sub3A_53 = vector.broadcast %div3A_52 : vector<1x512xf32> to vector<2048x512xf32>
    %sub3A_54 = arith.subf %add3A_46, %sub3A_53 : vector<2048x512xf32>
    %mul3A_55 = arith.mulf %sub3A_54, %sub3A_54 : vector<2048x512xf32>
    %reduce_sum3A_56 = arith.constant dense<0.000000e+00> : vector<512xf32>
    %reduce_sum3A_57 = vector.multi_reduction <add>, %mul3A_55, %reduce_sum3A_56 [0] : vector<2048x512xf32> to vector<512xf32>
    %broadcast_in_dim3A_58 = vector.shape_cast %reduce_sum3A_57 : vector<512xf32> to vector<1x512xf32>
    %div3A_59 = arith.constant 2.048000e+03 : f32
    %div3A_60 = vector.broadcast %div3A_59 : f32 to vector<1x512xf32>
    %div3A_61 = arith.divf %broadcast_in_dim3A_58, %div3A_60 : vector<1x512xf32>
    %add3A_62 = arith.constant 9.99999974E-6 : f32
    %add3A_63 = vector.broadcast %add3A_62 : f32 to vector<1x512xf32>
    %add3A_64 = arith.addf %div3A_61, %add3A_63 : vector<1x512xf32>
    %sqrt3A_65 = math.sqrt %add3A_64 : vector<1x512xf32>
    %div3A_66 = vector.broadcast %sqrt3A_65 : vector<1x512xf32> to vector<2048x512xf32>
    %div3A_67 = arith.divf %sub3A_54, %div3A_66 : vector<2048x512xf32>
    %get3A_68 = arith.constant 1 : index
    %get3A_69 = arith.constant 0 : index
    %get3A_70 = vector.load %arg4[%get3A_68, %get3A_69] : memref<8x512xf32, #tpu.memory_space<vmem>>, vector<1x512xf32>
    %mul3A_71 = vector.broadcast %get3A_70 : vector<1x512xf32> to vector<2048x512xf32>
    %mul3A_72 = arith.mulf %div3A_67, %mul3A_71 : vector<2048x512xf32>
    %get3A_73 = arith.constant 2 : index
    %get3A_74 = arith.constant 0 : index
    %get3A_75 = vector.load %arg4[%get3A_73, %get3A_74] : memref<8x512xf32, #tpu.memory_space<vmem>>, vector<1x512xf32>
    %add3A_76 = vector.broadcast %get3A_75 : vector<1x512xf32> to vector<2048x512xf32>
    %add3A_77 = arith.addf %mul3A_72, %add3A_76 : vector<2048x512xf32>
    %max3A_78 = arith.constant 0.000000e+00 : f32
    %max3A_79 = vector.broadcast %max3A_78 : f32 to vector<2048x512xf32>
    %max3A_80 = arith.maximumf %add3A_77, %max3A_79 : vector<2048x512xf32>
    %get3A_81 = arith.constant 0 : index
    %get3A_82 = arith.constant 0 : index
    %get3A_83 = vector.load %arg5[%get3A_81, %get3A_82] : memref<512x1024xf32, #tpu.memory_space<vmem>>, vector<512x1024xf32>
    %dot_general3A_84 = arith.constant dense<0.000000e+00> : vector<2048x1024xf32>
    %dot_general3A_85 = tpu.matmul %max3A_80, %get3A_83, %dot_general3A_84 {dimension_numbers = #tpu.dot_dimension_numbers<[1], [0], [0], [1], [0, 0, 1, 1], [], []>, transpose_lhs_hint = false} : vector<2048x512xf32>, vector<512x1024xf32>, vector<2048x1024xf32> -> vector<2048x1024xf32>
    %get3A_86 = arith.constant 0 : index
    %get3A_87 = arith.constant 0 : index
    %get3A_88 = vector.load %arg6[%get3A_86, %get3A_87] : memref<8x1024xf32, #tpu.memory_space<vmem>>, vector<1x1024xf32>
    %add3A_89 = vector.broadcast %get3A_88 : vector<1x1024xf32> to vector<2048x1024xf32>
    %add3A_90 = arith.addf %dot_general3A_85, %add3A_89 : vector<2048x1024xf32>
    %reduce_sum3A_91 = arith.constant dense<0.000000e+00> : vector<1024xf32>
    %reduce_sum3A_92 = vector.multi_reduction <add>, %add3A_90, %reduce_sum3A_91 [0] : vector<2048x1024xf32> to vector<1024xf32>
    %broadcast_in_dim3A_93 = vector.shape_cast %reduce_sum3A_92 : vector<1024xf32> to vector<1x1024xf32>
    %div3A_94 = arith.constant 2.048000e+03 : f32
    %div3A_95 = vector.broadcast %div3A_94 : f32 to vector<1x1024xf32>
    %div3A_96 = arith.divf %broadcast_in_dim3A_93, %div3A_95 : vector<1x1024xf32>
    %sub3A_97 = vector.broadcast %div3A_96 : vector<1x1024xf32> to vector<2048x1024xf32>
    %sub3A_98 = arith.subf %add3A_90, %sub3A_97 : vector<2048x1024xf32>
    %mul3A_99 = arith.mulf %sub3A_98, %sub3A_98 : vector<2048x1024xf32>
    %reduce_sum3A_100 = arith.constant dense<0.000000e+00> : vector<1024xf32>
    %reduce_sum3A_101 = vector.multi_reduction <add>, %mul3A_99, %reduce_sum3A_100 [0] : vector<2048x1024xf32> to vector<1024xf32>
    %broadcast_in_dim3A_102 = vector.shape_cast %reduce_sum3A_101 : vector<1024xf32> to vector<1x1024xf32>
    %div3A_103 = arith.constant 2.048000e+03 : f32
    %div3A_104 = vector.broadcast %div3A_103 : f32 to vector<1x1024xf32>
    %div3A_105 = arith.divf %broadcast_in_dim3A_102, %div3A_104 : vector<1x1024xf32>
    %add3A_106 = arith.constant 9.99999974E-6 : f32
    %add3A_107 = vector.broadcast %add3A_106 : f32 to vector<1x1024xf32>
    %add3A_108 = arith.addf %div3A_105, %add3A_107 : vector<1x1024xf32>
    %sqrt3A_109 = math.sqrt %add3A_108 : vector<1x1024xf32>
    %div3A_110 = vector.broadcast %sqrt3A_109 : vector<1x1024xf32> to vector<2048x1024xf32>
    %div3A_111 = arith.divf %sub3A_98, %div3A_110 : vector<2048x1024xf32>
    %get3A_112 = arith.constant 1 : index
    %get3A_113 = arith.constant 0 : index
    %get3A_114 = vector.load %arg6[%get3A_112, %get3A_113] : memref<8x1024xf32, #tpu.memory_space<vmem>>, vector<1x1024xf32>
    %mul3A_115 = vector.broadcast %get3A_114 : vector<1x1024xf32> to vector<2048x1024xf32>
    %mul3A_116 = arith.mulf %div3A_111, %mul3A_115 : vector<2048x1024xf32>
    %get3A_117 = arith.constant 2 : index
    %get3A_118 = arith.constant 0 : index
    %get3A_119 = vector.load %arg6[%get3A_117, %get3A_118] : memref<8x1024xf32, #tpu.memory_space<vmem>>, vector<1x1024xf32>
    %add3A_120 = vector.broadcast %get3A_119 : vector<1x1024xf32> to vector<2048x1024xf32>
    %add3A_121 = arith.addf %mul3A_116, %add3A_120 : vector<2048x1024xf32>
    %max3A_122 = arith.constant 0.000000e+00 : f32
    %max3A_123 = vector.broadcast %max3A_122 : f32 to vector<2048x1024xf32>
    %max3A_124 = arith.maximumf %add3A_121, %max3A_123 : vector<2048x1024xf32>
    %reshape3A = vector.shape_cast %max3A_124 : vector<2048x1024xf32> to vector<16x128x1024xf32>
    %reduce_max3A = arith.constant dense<0xFF800000> : vector<16x1024xf32>
    %reduce_max3A_125 = vector.multi_reduction <maximumf>, %reshape3A, %reduce_max3A [1] : vector<16x128x1024xf32> to vector<16x1024xf32>
    %swap3A = arith.constant 0 : index
    %swap3A_126 = arith.constant 0 : index
    %swap3A_127 = vector.load %arg7[%swap3A, %swap3A_126] : memref<16x1024xf32, #tpu.memory_space<vmem>>, vector<16x1024xf32>
    tpu.vector_store %arg7[%swap3A, %swap3A_126], %reduce_max3A_125 {strides = array<i32>} : memref<16x1024xf32, #tpu.memory_space<vmem>>, vector<16x1024xf32>,
    return
  }
}

</mosaic_0001>

<sc_bundles>
// kernel: kernel.17.cloned.1.call-start
scs
__scs_entry_jumppad:
0x0: {  	(pc) =	sbr.rel $0x88, $3  }
0x1: {  	(tag) =	ssettag $0x0;
	lr =	simm.s32 $0x1  }
0x2: {  	[smem:$0x3F7B] =	sst lr;
	_ =	strace $0xD0000000  }
0x3: {  	_ = 	snop  }
0x4: {  	_ = 	snop  }
0x5: {  	_ = 	snop  }
0x6: {  	_ = 	snop  }
0x7: {  	_ = 	snop  }
__scs_overlays_trampoline_lowered:
0x8: {  	[smem:$0x3F8A] =	sst s0  }
0x9: {  	[smem:$0x3F8B] =	sst s1  }
0xa: {  	[smem:$0x3F8C] =	sst s2  }
0xb: {  	[smem:$0x3F8D] =	sst s3  }
0xc: {  	[smem:$0x3F8E] =	sst s4  }
0xd: {  	[smem:$0x3F8F] =	sst s5  }
0xe: {  	[smem:$0x3F90] =	sst s6  }
0xf: {  	[smem:$0x3F91] =	sst s7  }
0x10: {  	[smem:$0x3F92] =	sst s8  }
0x11: {  	[smem:$0x3F93] =	sst s9;
	s0 =	simm.s32 @!p0 $0x0  }
0x12: {  	s1 =	sld [smem:$0x3F79];
	s0 =	simm.s32 @p0 $0x1  }
0x13: {  	[smem:$0x3F94] =	sst s0;
	s0 =	simm.s32 @!p1 $0x0  }
0x14: {  	s2 =	sld [smem:$0x3F78];
	s0 =	simm.s32 @p1 $0x1  }
0x15: {  	[smem:$0x3F95] =	sst s0;
	s0 =	simm.s32 @!p2 $0x0  }
0x16: {  	s3 =	sld [smem:$0x3FDB];
	s0 =	simm.s32 @p2 $0x1  }
0x17: {  	s4 =	simm.s32 $0x1BF5;
	[smem:$0x3F97] =	sst s0  }
0x18: {  	s0 =	sld [smem:$0x3F7A];
	_ =	swait.ge [sflag:s4], $0x0  }
0x19: {  	s7 =	sld [smem:$0x3F7B]  }
0x1a: {  	s8 =	sadd.s32 $0xFFFFE003, lr  }
0x1b: {  	s9 =	sadd.s32 $0xFFFFFEF7, lr;
	s5 =	simm.s32 $0xFFFFFFFF;
	p2 =	slt.u32 s8, $0xFFFFF086  }
0x1c: {  	p1 =	slt.u32 s9, $0xF7A;
	s5 =	simm.s32 @!p2 $0x0  }
0x1d: {  	s5 =	simm.s32 @p1 $0x1;
	p0 =	seq.s32 s7, s2  }
0x1e: {  	s7 =	smul.u32 @!p0 $0xF7A, s2;
	p2 =	seq.s32 @!p0 s5, $0x0  }
0x1f: {  	s9 =	smul.u32 $0xF7A, s1;
	s8 =	simm.s32 @!p0 $0x1BF5;
	p2 =	por !p2, p0  }
0x20: {  	[sflag:s8] =	ssyncset.s32 @!p0 $0xFFFFF086;
	s6 =	sadd.s32 @!p0 s3, s7;
	s7 =	simm.s32 @!p0 $0x108  }
0x21: {  	s3 =	sadd.s32 s3, s9;
	s6 =	sadd.s32 @!p0 $0x88, s6;
	s7 =	simm.s32 @p2 $0x1082  }
0x22: {  	[simem:s7], [sflag:s8] =	dma.local @!p0 [hbm:s6], $0xF7A  }
0x23: {  	s9 =	sor.u32 $0xD0000000, s2;
	s6 =	simm.s32 $0x108;
	_ =	swait.ge @!p0 [sflag:s8], $0x0  }
0x24: {  	s3 =	sadd.s32 $0x88, s3;
	s6 =	simm.s32 @!p1 $0x1082;
	[sflag:s4] =	ssyncset.s32 $0xFFFFF086  }
0x25: {  	[simem:s6], [sflag:s4] =	dma.local [hbm:s3], $0xF7A  }
0x26: {  	[smem:$0x3F7B] =	sst s1;
	(tag) =	ssettag s2;
	_ =	strace s9  }
0x27: {  	s1 =	sld [smem:$0x3F8B]  }
0x28: {  	s2 =	sld [smem:$0x3F8C]  }
0x29: {  	s4 =	sld [smem:$0x3F8E]  }
0x2a: {  	p0 =	seq.s32 s5, $0x0;
	s5 =	sld [smem:$0x3F8F]  }
0x2b: {  	s6 =	sld [smem:$0x3F90]  }
0x2c: {  	s7 =	sld [smem:$0x3F91]  }
0x2d: {  	s3 =	simm.s32 $0x108;
	s8 =	sld [smem:$0x3F92]  }
0x2e: {  	s3 =	simm.s32 @!p0 $0x1082;
	s9 =	sld [smem:$0x3F93]  }
0x2f: {  	lr =	sadd.s32 s0, s3;
	s0 =	sld [smem:$0x3F8A]  }
0x30: {  	s3 =	sld [smem:$0x3F8D]  }
0x31: {  	[smem:$0x3F96] =	sst s10  }
0x32: {  	s10 =	sld [smem:$0x3F94];
	_ =	sdelay $0x3  }
0x33: {  	p0 =	seq.s32 s10, $0x1;
	s10 =	sld [smem:$0x3F96];
	_ =	sdelay $0x3  }
0x34: {  	[smem:$0x3F96] =	sst s10  }
0x35: {  	s10 =	sld [smem:$0x3F95];
	_ =	sdelay $0x3  }
0x36: {  	p1 =	seq.s32 s10, $0x1;
	s10 =	sld [smem:$0x3F96];
	_ =	sdelay $0x3  }
0x37: {  	[smem:$0x3F96] =	sst s10  }
0x38: {  	s10 =	sld [smem:$0x3F97]  }
0x39: {  	_ = 	snop;
	(pc) =	sbr.ind lr, $3  }
0x3a: {  	_ = 	snop  }
0x3b: {  	_ = 	snop  }
0x3c: {  	p2 =	seq.s32 s10, $0x1;
	s10 =	sld [smem:$0x3F96]  }
0x3d: {  	_ =	shalt  }
0x3e: {  	_ =	shalt  }
0x3f: {  	_ =	shalt  }
0x40: {  	_ =	shalt  }
0x41: {  	_ =	shalt  }
0x42: {  	_ =	shalt  }
0x43: {  	_ =	shalt  }
0x44: {  	_ =	shalt  }
0x45: {  	_ =	shalt  }
0x46: {  	_ =	shalt  }
0x47: {  	_ =	shalt  }
0x48: {  	_ =	shalt  }
0x49: {  	_ =	shalt  }
0x4a: {  	_ =	shalt  }
0x4b: {  	_ =	shalt  }
0x4c: {  	_ =	shalt  }
0x4d: {  	_ =	shalt  }
0x4e: {  	_ =	shalt  }
0x4f: {  	_ =	shalt  }
0x50: {  	_ =	shalt  }
0x51: {  	_ =	shalt  }
0x52: {  	_ =	shalt  }
0x53: {  	_ =	shalt  }
0x54: {  	_ =	shalt  }
0x55: {  	_ =	shalt  }
0x56: {  	_ =	shalt  }
0x57: {  	_ =	shalt  }
0x58: {  	_ =	shalt  }
0x59: {  	_ =	shalt  }
0x5a: {  	_ =	shalt  }
0x5b: {  	_ =	shalt  }
0x5c: {  	_ =	shalt  }
0x5d: {  	_ =	shalt  }
0x5e: {  	_ =	shalt  }
0x5f: {  	_ =	shalt  }
0x60: {  	_ =	shalt  }
0x61: {  	_ =	shalt  }
0x62: {  	_ =	shalt  }
0x63: {  	_ =	shalt  }
0x64: {  	_ =	shalt  }
0x65: {  	_ =	shalt  }
0x66: {  	_ =	shalt  }
0x67: {  	_ =	shalt  }
0x68: {  	_ =	shalt  }
0x69: {  	_ =	shalt  }
0x6a: {  	_ =	shalt  }
0x6b: {  	_ =	shalt  }
0x6c: {  	_ =	shalt  }
0x6d: {  	_ =	shalt  }
0x6e: {  	_ =	shalt  }
0x6f: {  	_ =	shalt  }
0x70: {  	_ =	shalt  }
0x71: {  	_ =	shalt  }
0x72: {  	_ =	shalt  }
0x73: {  	_ =	shalt  }
0x74: {  	_ =	shalt  }
0x75: {  	_ =	shalt  }
0x76: {  	_ =	shalt  }
0x77: {  	_ =	shalt  }
0x78: {  	_ =	shalt  }
0x79: {  	_ =	shalt  }
0x7a: {  	_ =	shalt  }
0x7b: {  	_ =	shalt  }
0x7c: {  	_ =	shalt  }
0x7d: {  	_ =	shalt  }
0x7e: {  	_ =	shalt  }
0x7f: {  	_ =	shalt  }
0x80: {  	_ =	shalt  }
0x81: {  	_ =	shalt  }
0x82: {  	_ =	shalt  }
0x83: {  	_ =	shalt  }
0x84: {  	_ =	shalt  }
0x85: {  	_ =	shalt  }
0x86: {  	_ =	shalt  }
0x87: {  	_ =	shalt  }
.Lfunc_end0:
.L_simem_size_0:
called_computation_lowered:
.L_overlay_start_0:
0x88: {  	s2 =	sld [smem:$0x3FD9]  }
0x89: {  	s3 =	sld [smem:$0x3FFE];
	_ =	sdelay $0x1  }
0x8a: {  	s1 =	srdreg.scid  }
0x8b: {  	s0 =	sand.u32 $0x1, s1  }
0x8c: {  	s16 =	sshll.u32 s0, $0xA;
	s2 =	sadd.s32 s3, s2  }
0x8d: {  	s2 =	sadd.s32 s2, s16  }
0x8e: {  	[smem:$0x3FA2] =	sst s2  }
0x8f: {  	_ = 	snop  }
0x90: {  	(tm) =	ssettm $0x1  }
0x91: {  	s17 =	sld [smem:$0x3FFB];
	_ =	sdelay $0x3  }
0x92: {  	_ =	strace s17  }
0x93: {  	s2 =	sld [smem:$0x3FFC];
	_ =	sdelay $0x3  }
0x94: {  	_ =	strace s2  }
0x95: {  	s2 =	sld [smem:$0x3FFD];
	_ =	sdelay $0x3  }
0x96: {  	_ =	strace s2  }
0x97: {  	_ =	strace $0x8FFFFFFF  }
0x98: {  	s18 =	sld [smem:$0x3FDB];
	_ =	sdelay $0x1  }
0x99: {  	s19 =	simm.s32 $_scs_section_size  }
0x9a: {  	s4 =	simm.s32 $_size__tile_overlayer_lowered;
	s5 =	simm.s32 $_tile_overlayer_lowered  }
0x9b: {  	s22 =	simm.s32 $0x1BFF;
	s21 =	sshll.u32 s5, $0x1;
	s2 =	sadd.s32 s19, s18  }
0x9c: {  	s6 =	simm.s32 $0x0;
	s20 =	sshll.u32 s4, $0x1;
	s4 =	sadd.s32 s21, s2  }
0x9d: {  	[timem:s6], [sflag:s22] =	dma.local [hbm:s4], s20  }
0x9e: {  	_ =	swait.ge [sflag:s22], s20  }
0x9f: {  	s3 =	ssub.s32 $0x0, s20;
	[sflag:s22] =	ssyncset.done $0x0  }
0xa0: {  	[sflag:s22] =	ssyncadd.s32 s3;
	_ =	sdelay $0x1  }
0xa1: {  	s23 =	simm.s32 $0x1B8B  }
0xa2: {  	_ =	swait.ge [sflag:s23], $0x1  }
0xa3: {  	[sflag:s23] =	ssyncset.done $0x0  }
0xa4: {  	s25 =	simm.s32 $0x1B8E;
	s24 =	sld [smem:$0x3FFE];
	[sflag:s23] =	ssyncadd.s32 $0xFFFFFFFF  }
0xa5: {  	s26 =	simm.s32 $execute0_lowered;
	[smem:$0x3FD2] =	sst s25  }
0xa6: {  	s4 =	sshll.u32 s26, $0x1;
	_ =	strace $0x80000046;
	[dreg:$0x1] =	wrdreg $0xFFFFFFFF  }
0xa7: {  	s28 =	simm.s32 $_size_execute0_lowered;
	s2 =	sadd.s32 s2, s4;
	[dreg:$0x0] =	wrdreg $0x0  }
0xa8: {  	s4 =	sshll.u32 s28, $0x1;
	[dreg:$0x2] =	wrdreg s2  }
0xa9: {  	[dreg:$0x3] =	wrdreg s4  }
0xaa: {  	[dreg:$0x4] =	wrdreg $0xC0  }
0xab: {  	_ =	task [dreg:s6], $0x5FFFF  }
0xac: {  	[dreg:$0x1] =	wrdreg $0xFFFFFFFF  }
0xad: {  	[dreg:$0x0] =	wrdreg $0x60  }
0xae: {  	[dreg:$0x2] =	wrdreg s24  }
0xaf: {  	[dreg:$0x3] =	wrdreg $0x9  }
0xb0: {  	_ =	task.clear_ibuf [dreg:s6], $0x4FFFF;
	_ =	strace $0x90000046  }
0xb1: {  	s29 =	simm.s32 $0x9;
	_ =	strace $0x80000048  }
0xb2: {  	_ =	swait.ge [sflag:s29], $0x1  }
0xb3: {  	[sflag:s29] =	ssyncadd.s32 $0xFFFFFFFF  }
0xb4: {  	_ =	strace $0x90000048  }
0xb5: {  	_ =	sfence  }
0xb6: {  	s30 =	sld [smem:$0x0];
	_ =	sdelay $0x2  }
0xb7: {  	s31 =	sshll.u32 s1, $0xD;
	s1 =	sshrl.u32 s1, $0x2  }
0xb8: {  	s3 =	sand.u32 $0x4000, s31;
	s1 =	sadd.s32 s1, s30  }
0xb9: {  	s0 =	sor.u32 s3, s0;
	s1 =	sshll.u32 s1, $0x11  }
0xba: {  	s0 =	sor.u32 s1, s0  }
0xbb: {  	s0 =	sadd.s32 $0x8F2B, s0  }
0xbc: {  	[sflag:s0] =	ssyncadd.remote.s32 $0x1  }
0xbd: {  	_ =	sfence.sel $0xFFFF  }
0xbe: {  	[dreg:$0x0] =	wrdreg $0xFFFFFFFF;
	(pc) =	sbr.abs _section_cstart, $3  }
0xbf: {  	[dreg:$0x1] =	wrdreg $0xFFFFFFFF  }
0xc0: {  	_ =	task.clear_ibuf [dreg:s6], $0x2FFFF;
	_ =	strace $0x9FFFFFFF  }
0xc1: {  	(tm) =	ssettm $0x7FFFFFFF  }
tec
execute0_lowered:
.L_overlay_start_1:
0x0: {  	(tag) =	ssettag $0x1  }
0x1: {  	s4 =	rddreg [dreg:$0x0]  }
0x2: {  	s0 =	rddreg [dreg:$0x1]  }
0x3: {  	s3 =	srdreg.scid;
	s2 =	simm.s32 $0x0;
	s1 =	stileid.u32  }
0x4: {  	s11 =	simm.s32 $0x2000;
	s12 =	simm.s32 $0x2800;
	s13 =	simm.s32 $0x1  }
0x5: {  	s14 =	simm.s32 $0x2;
	s15 =	simm.s32 $0x0;
	s7 =	sand.u32 $0x1, s3  }
0x6: {  	[smem:$0x7FF] =	sst s2;
	s28 =	sshll.u32 s1, $0xE;
	s3 =	sadd.s32 $0x211000, s4  }
0x7: {  	s9 =	sadd.s32 $0x11000, s4;
	s30 =	sshll.u32 s1, $0xF;
	s5 =	sshll.u32 s7, $0xD  }
0x8: {  	_ =	strace $0x80000047;
	s8 =	ssub.s32 $0x2, s7;
	s5 =	sor.u32 s5, s28  }
0x9: {  	s31 =	sshll.u32 s7, $0xE;
	s29 =	sshrl.u32 s8, $0x1;
	s6 =	sshrl.u32 s5, $0x3  }
0xa: {  	s8 =	ssub.s32 s8, s29;
	s5 =	sshll.u32 s5, $0x1;
	s6 =	sadd.s32 s6, s4  }
0xb: {  	s10 =	sadd.s32 s9, s5;
	s5 =	smax.u32 s8, $0x1;
	s8 =	sadd.s32 s30, s9  }
0xc: {  	s9 =	simm.s32 $0x3;
	s4 =	sadd.s32 $0x9000, s6;
	s6 =	sadd.s32 $0x3E00, s10  }
0xd: {  	s7 =	sadd.s32 $0x3F00, s10;
	s8 =	sadd.s32 s31, s8;
	s10 =	simm.s32 $0x80  }
.LBB2_1:
0xe: {  	[tilespmem:s2], [sflag:$0x3] =	stream.linear.gather [hbm4b:s4+s2], $0x2000, $0x38;
	[tilespmem:$0x3000] =	vst v63  }
0xf: {  	_ =	swait.ge [sflag:s9], $0x2000  }
0x10: {  	[sflag:s9] =	ssyncset.done $0x0  }
0x11: {  	[sflag:s9] =	ssyncadd.s32 $0xFFFFE000  }
0x12: {  	[tilespmem:s11], [sflag:$0x1] =	stream.indirect.gather [hbm4b:s3+s10], $0x10, s2, s10, $0xb8;
	[tilespmem:$0x3000] =	vst v63  }
0x13: {  	_ = 	snop  }
0x14: {  	[tilespmem:s12], [sflag:$0x2] =	stream.indirect.gather [hbm4b:s3+s10], $0x10, s10, s10, $0xb8;
	[tilespmem:$0x3000] =	vst v63  }
0x15: {  	_ =	swait.ge [sflag:s13], $0x800  }
0x16: {  	[sflag:s13] =	ssyncset.done $0x0  }
0x17: {  	s16 =	sadd.s32 $0x0, s8;
	[sflag:s13] =	ssyncadd.s32 $0xFFFFF800  }
0x18: {  	[hbm4b:s16+s2] =	stream.linear.scatter [tilespmem:s11], [sflag:$0x3], $0x800, $0x38;
	[tilespmem:$0x3000] =	vst v63  }
0x19: {  	_ =	swait.ge [sflag:s9], $0x800  }
0x1a: {  	[sflag:s9] =	ssyncset.done $0x0  }
0x1b: {  	s17 =	simm.s32 $0x100;
	[sflag:s9] =	ssyncadd.s32 $0xFFFFF800  }
0x1c: {  	[tilespmem:s11], [sflag:$0x1] =	stream.indirect.gather [hbm4b:s3+s10], $0x10, s17, s10, $0xb8;
	[tilespmem:$0x3000] =	vst v63  }
0x1d: {  	_ =	swait.ge [sflag:s14], $0x800  }
0x1e: {  	[sflag:s14] =	ssyncset.done $0x0  }
0x1f: {  	s16 =	sadd.s32 $0x100, s16;
	[sflag:s14] =	ssyncadd.s32 $0xFFFFF800  }
0x20: {  	[hbm4b:s16+s2] =	stream.linear.scatter [tilespmem:s12], [sflag:$0x3], $0x800, $0x38;
	[tilespmem:$0x3000] =	vst v63  }
0x21: {  	_ =	swait.ge [sflag:s9], $0x800  }
0x22: {  	s18 =	simm.s32 $0x280;
	[sflag:s9] =	ssyncset.done $0x0  }
0x23: {  	s17 =	simm.s32 $0x200;
	s16 =	simm.s32 $0x180;
	[sflag:s9] =	ssyncadd.s32 $0xFFFFF800  }
.LBB2_2:
0x24: {  	[tilespmem:s12], [sflag:$0x2] =	stream.indirect.gather [hbm4b:s3+s10], $0x10, s16, s10, $0xb8;
	[tilespmem:$0x3000] =	vst v63  }
0x25: {  	s19 =	smov.u32 s17;
	s16 =	smov.u32 s18  }
0x26: {  	p0 =	sne.s32 s17, $0x3C00;
	s17 =	sadd.s32 $0x200, s17;
	_ =	swait.ge [sflag:s13], $0x800  }
0x27: {  	[sflag:s13] =	ssyncset.done $0x0  }
0x28: {  	s19 =	sadd.s32 s19, s8;
	[sflag:s13] =	ssyncadd.s32 $0xFFFFF800  }
0x29: {  	[hbm4b:s19+s2] =	stream.linear.scatter [tilespmem:s11], [sflag:$0x3], $0x800, $0x38;
	[tilespmem:$0x3000] =	vst v63  }
0x2a: {  	_ =	swait.ge [sflag:s9], $0x800  }
0x2b: {  	[sflag:s9] =	ssyncset.done $0x0  }
0x2c: {  	s20 =	sadd.s32 $0xFFFFFF80, s18;
	[sflag:s9] =	ssyncadd.s32 $0xFFFFF800  }
0x2d: {  	[tilespmem:s11], [sflag:$0x1] =	stream.indirect.gather [hbm4b:s3+s10], $0x10, s20, s10, $0xb8;
	[tilespmem:$0x3000] =	vst v63  }
0x2e: {  	_ =	swait.ge [sflag:s14], $0x800  }
0x2f: {  	[sflag:s14] =	ssyncset.done $0x0  }
.Ltmp0:
0x30: {  	s19 =	sadd.s32 $0x100, s19;
	[sflag:s14] =	ssyncadd.s32 $0xFFFFF800;
	(pc) =	sbr.rel @p0 .LBB2_2-.Ltmp0, $4  }
0x31: {  	[hbm4b:s19+s2] =	stream.linear.scatter [tilespmem:s12], [sflag:$0x3], $0x800, $0x38;
	[tilespmem:$0x3000] =	vst v63  }
0x32: {  	_ =	swait.ge [sflag:s9], $0x800  }
0x33: {  	[sflag:s9] =	ssyncset.done $0x0  }
0x34: {  	s18 =	sadd.s32 $0x100, s18;
	[sflag:s9] =	ssyncadd.s32 $0xFFFFF800  }
0x35: {  	[tilespmem:s12], [sflag:$0x2] =	stream.indirect.gather [hbm4b:s3+s10], $0x10, s16, s10, $0xb8;
	[tilespmem:$0x3000] =	vst v63  }
0x36: {  	_ =	swait.ge [sflag:s13], $0x800  }
0x37: {  	[sflag:s13] =	ssyncset.done $0x0  }
0x38: {  	[sflag:s13] =	ssyncadd.s32 $0xFFFFF800  }
0x39: {  	[hbm4b:s6+s2] =	stream.linear.scatter [tilespmem:s11], [sflag:$0x3], $0x800, $0x38;
	[tilespmem:$0x3000] =	vst v63  }
0x3a: {  	_ =	swait.ge [sflag:s9], $0x800  }
0x3b: {  	[sflag:s9] =	ssyncset.done $0x0  }
0x3c: {  	[sflag:s9] =	ssyncadd.s32 $0xFFFFF800  }
0x3d: {  	s15 =	sadd.s32 $0x1, s15;
	_ =	swait.ge [sflag:s14], $0x800  }
0x3e: {  	p0 =	sne.s32 s15, s5;
	[sflag:s14] =	ssyncset.done $0x0  }
.Ltmp1:
0x3f: {  	[sflag:s14] =	ssyncadd.s32 $0xFFFFF800;
	(pc) =	sbr.rel @p0 .LBB2_1-.Ltmp1, $4  }
0x40: {  	[hbm4b:s7+s2] =	stream.linear.scatter [tilespmem:s12], [sflag:$0x3], $0x800, $0x38;
	[tilespmem:$0x3000] =	vst v63  }
0x41: {  	_ =	swait.ge [sflag:s9], $0x800  }
0x42: {  	[sflag:s9] =	ssyncset.done $0x0  }
0x43: {  	[sflag:s9] =	ssyncadd.s32 $0xFFFFF800  }
0x44: {  	_ =	sfence.sel $0x180000  }
0x45: {  	[bflag:$0x0] =	sbarrier.arrive $0xFFFF  }
0x46: {  	p0 =	sne.s32 s1, $0x0;
	_ =	strace $0x90000047  }
0x47: {  	s0 =	sadd.s32 @!p0 $0x100000, s0;
	[bflag:$0x2] =	sbarrier.arrive $0xFFFF  }
0x48: {  	[sflag:s0] =	ssyncadd.tile.s32 @!p0 $0x1;
	_ =	shalt  }
.Lfunc_end2:
_tile_overlayer_lowered:
.L_overlay_start_2:
0x49: {  	(tag) =	ssettag $0x2  }
0x4a: {  	s0 =	rddreg [dreg:$0x0];
	s2 =	stileid.u32  }
0x4b: {  	s1 =	rddreg [dreg:$0x1];
	p0 =	sne.s32 s2, $0x0  }
0x4c: {  	s3 =	rddreg [dreg:$0x2];
	[bflag:$0x3] =	sbarrier.arrive $0xFFFF;
	s2 =	simm.s32 @!p0 $0x1C03  }
0x4d: {  	[timem:s3], [sflag:s2] =	dma.local @!p0 [hbm:s0], s1  }
0x4e: {  	s0 =	simm.s32 @!p0 $0x3  }
0x4f: {  	_ =	swait.ge @!p0 [sflag:s0], s1  }
0x50: {  	s1 =	ssub.s32 @!p0 $0x0, s1;
	[sflag:s0] =	ssyncset.done @!p0 $0x0  }
0x51: {  	[sflag:s0] =	ssyncadd.s32 @!p0 s1  }
0x52: {  	[bflag:$0x3] =	sbarrier.arrive $0xFFFF  }
0x53: {  	_ =	shalt  }

// kernel: kernel.20.cloned.1.call-start
scs
__scs_entry_jumppad:
0x0: {  	(pc) =	sbr.rel $0x88, $3  }
0x1: {  	(tag) =	ssettag $0x0;
	lr =	simm.s32 $0x1  }
0x2: {  	[smem:$0x3F7B] =	sst lr;
	_ =	strace $0xD0000000  }
0x3: {  	_ = 	snop  }
0x4: {  	_ = 	snop  }
0x5: {  	_ = 	snop  }
0x6: {  	_ = 	snop  }
0x7: {  	_ = 	snop  }
__scs_overlays_trampoline_lowered:
0x8: {  	[smem:$0x3F8A] =	sst s0  }
0x9: {  	[smem:$0x3F8B] =	sst s1  }
0xa: {  	[smem:$0x3F8C] =	sst s2  }
0xb: {  	[smem:$0x3F8D] =	sst s3  }
0xc: {  	[smem:$0x3F8E] =	sst s4  }
0xd: {  	[smem:$0x3F8F] =	sst s5  }
0xe: {  	[smem:$0x3F90] =	sst s6  }
0xf: {  	[smem:$0x3F91] =	sst s7  }
0x10: {  	[smem:$0x3F92] =	sst s8  }
0x11: {  	[smem:$0x3F93] =	sst s9;
	s0 =	simm.s32 @!p0 $0x0  }
0x12: {  	s1 =	sld [smem:$0x3F79];
	s0 =	simm.s32 @p0 $0x1  }
0x13: {  	[smem:$0x3F94] =	sst s0;
	s0 =	simm.s32 @!p1 $0x0  }
0x14: {  	s2 =	sld [smem:$0x3F78];
	s0 =	simm.s32 @p1 $0x1  }
0x15: {  	[smem:$0x3F95] =	sst s0;
	s0 =	simm.s32 @!p2 $0x0  }
0x16: {  	s3 =	sld [smem:$0x3FDB];
	s0 =	simm.s32 @p2 $0x1  }
0x17: {  	s4 =	simm.s32 $0x1BF5;
	[smem:$0x3F97] =	sst s0  }
0x18: {  	s0 =	sld [smem:$0x3F7A];
	_ =	swait.ge [sflag:s4], $0x0  }
0x19: {  	s7 =	sld [smem:$0x3F7B]  }
0x1a: {  	s8 =	sadd.s32 $0xFFFFE003, lr  }
0x1b: {  	s9 =	sadd.s32 $0xFFFFFEF7, lr;
	s5 =	simm.s32 $0xFFFFFFFF;
	p2 =	slt.u32 s8, $0xFFFFF086  }
0x1c: {  	p1 =	slt.u32 s9, $0xF7A;
	s5 =	simm.s32 @!p2 $0x0  }
0x1d: {  	s5 =	simm.s32 @p1 $0x1;
	p0 =	seq.s32 s7, s2  }
0x1e: {  	s7 =	smul.u32 @!p0 $0xF7A, s2;
	p2 =	seq.s32 @!p0 s5, $0x0  }
0x1f: {  	s9 =	smul.u32 $0xF7A, s1;
	s8 =	simm.s32 @!p0 $0x1BF5;
	p2 =	por !p2, p0  }
0x20: {  	[sflag:s8] =	ssyncset.s32 @!p0 $0xFFFFF086;
	s6 =	sadd.s32 @!p0 s3, s7;
	s7 =	simm.s32 @!p0 $0x108  }
0x21: {  	s3 =	sadd.s32 s3, s9;
	s6 =	sadd.s32 @!p0 $0x88, s6;
	s7 =	simm.s32 @p2 $0x1082  }
0x22: {  	[simem:s7], [sflag:s8] =	dma.local @!p0 [hbm:s6], $0xF7A  }
0x23: {  	s9 =	sor.u32 $0xD0000000, s2;
	s6 =	simm.s32 $0x108;
	_ =	swait.ge @!p0 [sflag:s8], $0x0  }
0x24: {  	s3 =	sadd.s32 $0x88, s3;
	s6 =	simm.s32 @!p1 $0x1082;
	[sflag:s4] =	ssyncset.s32 $0xFFFFF086  }
0x25: {  	[simem:s6], [sflag:s4] =	dma.local [hbm:s3], $0xF7A  }
0x26: {  	[smem:$0x3F7B] =	sst s1;
	(tag) =	ssettag s2;
	_ =	strace s9  }
0x27: {  	s1 =	sld [smem:$0x3F8B]  }
0x28: {  	s2 =	sld [smem:$0x3F8C]  }
0x29: {  	s4 =	sld [smem:$0x3F8E]  }
0x2a: {  	p0 =	seq.s32 s5, $0x0;
	s5 =	sld [smem:$0x3F8F]  }
0x2b: {  	s6 =	sld [smem:$0x3F90]  }
0x2c: {  	s7 =	sld [smem:$0x3F91]  }
0x2d: {  	s3 =	simm.s32 $0x108;
	s8 =	sld [smem:$0x3F92]  }
0x2e: {  	s3 =	simm.s32 @!p0 $0x1082;
	s9 =	sld [smem:$0x3F93]  }
0x2f: {  	lr =	sadd.s32 s0, s3;
	s0 =	sld [smem:$0x3F8A]  }
0x30: {  	s3 =	sld [smem:$0x3F8D]  }
0x31: {  	[smem:$0x3F96] =	sst s10  }
0x32: {  	s10 =	sld [smem:$0x3F94];
	_ =	sdelay $0x3  }
0x33: {  	p0 =	seq.s32 s10, $0x1;
	s10 =	sld [smem:$0x3F96];
	_ =	sdelay $0x3  }
0x34: {  	[smem:$0x3F96] =	sst s10  }
0x35: {  	s10 =	sld [smem:$0x3F95];
	_ =	sdelay $0x3  }
0x36: {  	p1 =	seq.s32 s10, $0x1;
	s10 =	sld [smem:$0x3F96];
	_ =	sdelay $0x3  }
0x37: {  	[smem:$0x3F96] =	sst s10  }
0x38: {  	s10 =	sld [smem:$0x3F97]  }
0x39: {  	_ = 	snop;
	(pc) =	sbr.ind lr, $3  }
0x3a: {  	_ = 	snop  }
0x3b: {  	_ = 	snop  }
0x3c: {  	p2 =	seq.s32 s10, $0x1;
	s10 =	sld [smem:$0x3F96]  }
0x3d: {  	_ =	shalt  }
0x3e: {  	_ =	shalt  }
0x3f: {  	_ =	shalt  }
0x40: {  	_ =	shalt  }
0x41: {  	_ =	shalt  }
0x42: {  	_ =	shalt  }
0x43: {  	_ =	shalt  }
0x44: {  	_ =	shalt  }
0x45: {  	_ =	shalt  }
0x46: {  	_ =	shalt  }
0x47: {  	_ =	shalt  }
0x48: {  	_ =	shalt  }
0x49: {  	_ =	shalt  }
0x4a: {  	_ =	shalt  }
0x4b: {  	_ =	shalt  }
0x4c: {  	_ =	shalt  }
0x4d: {  	_ =	shalt  }
0x4e: {  	_ =	shalt  }
0x4f: {  	_ =	shalt  }
0x50: {  	_ =	shalt  }
0x51: {  	_ =	shalt  }
0x52: {  	_ =	shalt  }
0x53: {  	_ =	shalt  }
0x54: {  	_ =	shalt  }
0x55: {  	_ =	shalt  }
0x56: {  	_ =	shalt  }
0x57: {  	_ =	shalt  }
0x58: {  	_ =	shalt  }
0x59: {  	_ =	shalt  }
0x5a: {  	_ =	shalt  }
0x5b: {  	_ =	shalt  }
0x5c: {  	_ =	shalt  }
0x5d: {  	_ =	shalt  }
0x5e: {  	_ =	shalt  }
0x5f: {  	_ =	shalt  }
0x60: {  	_ =	shalt  }
0x61: {  	_ =	shalt  }
0x62: {  	_ =	shalt  }
0x63: {  	_ =	shalt  }
0x64: {  	_ =	shalt  }
0x65: {  	_ =	shalt  }
0x66: {  	_ =	shalt  }
0x67: {  	_ =	shalt  }
0x68: {  	_ =	shalt  }
0x69: {  	_ =	shalt  }
0x6a: {  	_ =	shalt  }
0x6b: {  	_ =	shalt  }
0x6c: {  	_ =	shalt  }
0x6d: {  	_ =	shalt  }
0x6e: {  	_ =	shalt  }
0x6f: {  	_ =	shalt  }
0x70: {  	_ =	shalt  }
0x71: {  	_ =	shalt  }
0x72: {  	_ =	shalt  }
0x73: {  	_ =	shalt  }
0x74: {  	_ =	shalt  }
0x75: {  	_ =	shalt  }
0x76: {  	_ =	shalt  }
0x77: {  	_ =	shalt  }
0x78: {  	_ =	shalt  }
0x79: {  	_ =	shalt  }
0x7a: {  	_ =	shalt  }
0x7b: {  	_ =	shalt  }
0x7c: {  	_ =	shalt  }
0x7d: {  	_ =	shalt  }
0x7e: {  	_ =	shalt  }
0x7f: {  	_ =	shalt  }
0x80: {  	_ =	shalt  }
0x81: {  	_ =	shalt  }
0x82: {  	_ =	shalt  }
0x83: {  	_ =	shalt  }
0x84: {  	_ =	shalt  }
0x85: {  	_ =	shalt  }
0x86: {  	_ =	shalt  }
0x87: {  	_ =	shalt  }
.Lfunc_end0:
.L_simem_size_0:
called_computation.1_lowered:
.L_overlay_start_0:
0x88: {  	s2 =	sld [smem:$0x3FD9]  }
0x89: {  	s3 =	sld [smem:$0x3FFE];
	_ =	sdelay $0x1  }
0x8a: {  	s1 =	srdreg.scid  }
0x8b: {  	s0 =	sand.u32 $0x1, s1  }
0x8c: {  	s16 =	sshll.u32 s0, $0xA;
	s2 =	sadd.s32 s3, s2  }
0x8d: {  	s2 =	sadd.s32 s2, s16  }
0x8e: {  	[smem:$0x3FA2] =	sst s2  }
0x8f: {  	_ = 	snop  }
0x90: {  	(tm) =	ssettm $0x1  }
0x91: {  	s17 =	sld [smem:$0x3FFB];
	_ =	sdelay $0x3  }
0x92: {  	_ =	strace s17  }
0x93: {  	s2 =	sld [smem:$0x3FFC];
	_ =	sdelay $0x3  }
0x94: {  	_ =	strace s2  }
0x95: {  	s2 =	sld [smem:$0x3FFD];
	_ =	sdelay $0x3  }
0x96: {  	_ =	strace s2  }
0x97: {  	_ =	strace $0x8FFFFFFF  }
0x98: {  	s18 =	sld [smem:$0x3FDB];
	_ =	sdelay $0x1  }
0x99: {  	s19 =	simm.s32 $_scs_section_size  }
0x9a: {  	s4 =	simm.s32 $_size__tile_overlayer_lowered;
	s5 =	simm.s32 $_tile_overlayer_lowered  }
0x9b: {  	s22 =	simm.s32 $0x1BFF;
	s21 =	sshll.u32 s5, $0x1;
	s2 =	sadd.s32 s19, s18  }
0x9c: {  	s6 =	simm.s32 $0x0;
	s20 =	sshll.u32 s4, $0x1;
	s4 =	sadd.s32 s21, s2  }
0x9d: {  	[timem:s6], [sflag:s22] =	dma.local [hbm:s4], s20  }
0x9e: {  	_ =	swait.ge [sflag:s22], s20  }
0x9f: {  	s3 =	ssub.s32 $0x0, s20;
	[sflag:s22] =	ssyncset.done $0x0  }
0xa0: {  	[sflag:s22] =	ssyncadd.s32 s3;
	_ =	sdelay $0x1  }
0xa1: {  	s23 =	simm.s32 $0x1B8B  }
0xa2: {  	_ =	swait.ge [sflag:s23], $0x1  }
0xa3: {  	[sflag:s23] =	ssyncset.done $0x0  }
0xa4: {  	s25 =	simm.s32 $0x1B8E;
	s24 =	sld [smem:$0x3FFE];
	[sflag:s23] =	ssyncadd.s32 $0xFFFFFFFF  }
0xa5: {  	s26 =	simm.s32 $execute0_lowered;
	[smem:$0x3FD2] =	sst s25  }
0xa6: {  	s4 =	sshll.u32 s26, $0x1;
	_ =	strace $0x80000049;
	[dreg:$0x1] =	wrdreg $0xFFFFFFFF  }
0xa7: {  	s28 =	simm.s32 $_size_execute0_lowered;
	s2 =	sadd.s32 s2, s4;
	[dreg:$0x0] =	wrdreg $0x0  }
0xa8: {  	s4 =	sshll.u32 s28, $0x1;
	[dreg:$0x2] =	wrdreg s2  }
0xa9: {  	[dreg:$0x3] =	wrdreg s4  }
0xaa: {  	[dreg:$0x4] =	wrdreg $0xC0  }
0xab: {  	_ =	task [dreg:s6], $0x5FFFF  }
0xac: {  	[dreg:$0x1] =	wrdreg $0xFFFFFFFF  }
0xad: {  	[dreg:$0x0] =	wrdreg $0x60  }
0xae: {  	[dreg:$0x2] =	wrdreg s24  }
0xaf: {  	[dreg:$0x3] =	wrdreg $0x9  }
0xb0: {  	_ =	task.clear_ibuf [dreg:s6], $0x4FFFF;
	_ =	strace $0x90000049  }
0xb1: {  	s29 =	simm.s32 $0x9;
	_ =	strace $0x8000004B  }
0xb2: {  	_ =	swait.ge [sflag:s29], $0x1  }
0xb3: {  	[sflag:s29] =	ssyncadd.s32 $0xFFFFFFFF  }
0xb4: {  	_ =	strace $0x9000004B  }
0xb5: {  	_ =	sfence  }
0xb6: {  	s30 =	sld [smem:$0x0];
	_ =	sdelay $0x2  }
0xb7: {  	s31 =	sshll.u32 s1, $0xD;
	s1 =	sshrl.u32 s1, $0x2  }
0xb8: {  	s3 =	sand.u32 $0x4000, s31;
	s1 =	sadd.s32 s1, s30  }
0xb9: {  	s0 =	sor.u32 s3, s0;
	s1 =	sshll.u32 s1, $0x11  }
0xba: {  	s0 =	sor.u32 s1, s0  }
0xbb: {  	s0 =	sadd.s32 $0x8F2B, s0  }
0xbc: {  	[sflag:s0] =	ssyncadd.remote.s32 $0x1  }
0xbd: {  	_ =	sfence.sel $0xFFFF  }
0xbe: {  	[dreg:$0x0] =	wrdreg $0xFFFFFFFF;
	(pc) =	sbr.abs _section_cstart, $3  }
0xbf: {  	[dreg:$0x1] =	wrdreg $0xFFFFFFFF  }
0xc0: {  	_ =	task.clear_ibuf [dreg:s6], $0x2FFFF;
	_ =	strace $0x9FFFFFFF  }
0xc1: {  	(tm) =	ssettm $0x7FFFFFFF  }
tec
execute0_lowered:
.L_overlay_start_1:
0x0: {  	(tag) =	ssettag $0x1  }
0x1: {  	s4 =	rddreg [dreg:$0x0]  }
0x2: {  	s0 =	rddreg [dreg:$0x1]  }
0x3: {  	s3 =	srdreg.scid;
	s2 =	simm.s32 $0x0;
	s1 =	stileid.u32  }
0x4: {  	s12 =	simm.s32 $0x5800;
	s13 =	simm.s32 $0x1;
	s14 =	simm.s32 $0x2  }
0x5: {  	s15 =	simm.s32 $0x0;
	s5 =	sand.u32 $0x1, s3;
	[smem:$0x7FF] =	sst s2  }
0x6: {  	s28 =	sshll.u32 s1, $0xD;
	s3 =	sadd.s32 $0x9000, s4;
	s10 =	sadd.s32 $0xF5800, s4  }
0x7: {  	s29 =	smul.u32 $0x24000, s1;
	s6 =	sshll.u32 s5, $0xC;
	_ =	strace $0x8000004A  }
0x8: {  	s8 =	ssub.s32 $0x2, s5;
	s11 =	smul.u32 $0x12000, s5;
	s6 =	sor.u32 s6, s28  }
0x9: {  	s9 =	sshrl.u32 s8, $0x1;
	s31 =	sadd.s32 s29, s10;
	s7 =	sshrl.u32 s6, $0x3  }
0xa: {  	s6 =	smul.u32 $0x12, s6;
	s8 =	ssub.s32 s8, s9;
	s9 =	simm.s32 $0x3  }
0xb: {  	s7 =	sadd.s32 s7, s4;
	s5 =	smax.u32 s8, $0x1;
	s8 =	sadd.s32 s11, s31  }
0xc: {  	s11 =	simm.s32 $0x1000;
	s4 =	sadd.s32 $0xF1800, s7;
	s30 =	sadd.s32 s10, s6  }
0xd: {  	s10 =	simm.s32 $0x80;
	s6 =	sadd.s32 $0x10E00, s30;
	s7 =	sadd.s32 $0x11700, s30  }
.LBB2_1:
0xe: {  	[tilespmem:s2], [sflag:$0x3] =	stream.linear.gather [hbm4b:s4+s2], $0x1000, $0x38;
	[tilespmem:$0xA000] =	vst v63  }
0xf: {  	_ =	swait.ge [sflag:s9], $0x1000  }
0x10: {  	[sflag:s9] =	ssyncset.done $0x0  }
0x11: {  	[sflag:s9] =	ssyncadd.s32 $0xFFFFF000  }
0x12: {  	[tilespmem:s11], [sflag:$0x1] =	stream.indirect.gather [hbm4b:s3+s10], $0x90, s2, s10, $0xb8;
	[tilespmem:$0xA000] =	vst v63  }
0x13: {  	_ = 	snop  }
0x14: {  	[tilespmem:s12], [sflag:$0x2] =	stream.indirect.gather [hbm4b:s3+s10], $0x90, s10, s10, $0xb8;
	[tilespmem:$0xA000] =	vst v63  }
0x15: {  	_ =	swait.ge [sflag:s13], $0x4800  }
0x16: {  	[sflag:s13] =	ssyncset.done $0x0  }
0x17: {  	s16 =	sadd.s32 $0x0, s8;
	[sflag:s13] =	ssyncadd.s32 $0xFFFFB800  }
0x18: {  	[hbm4b:s16+s2] =	stream.linear.scatter [tilespmem:s11], [sflag:$0x3], $0x4800, $0x38;
	[tilespmem:$0xA000] =	vst v63  }
0x19: {  	_ =	swait.ge [sflag:s9], $0x4800  }
0x1a: {  	[sflag:s9] =	ssyncset.done $0x0  }
0x1b: {  	s17 =	simm.s32 $0x100;
	[sflag:s9] =	ssyncadd.s32 $0xFFFFB800  }
0x1c: {  	[tilespmem:s11], [sflag:$0x1] =	stream.indirect.gather [hbm4b:s3+s10], $0x90, s17, s10, $0xb8;
	[tilespmem:$0xA000] =	vst v63  }
0x1d: {  	_ =	swait.ge [sflag:s14], $0x4800  }
0x1e: {  	[sflag:s14] =	ssyncset.done $0x0  }
0x1f: {  	s16 =	sadd.s32 $0x900, s16;
	[sflag:s14] =	ssyncadd.s32 $0xFFFFB800  }
0x20: {  	[hbm4b:s16+s2] =	stream.linear.scatter [tilespmem:s12], [sflag:$0x3], $0x4800, $0x38;
	[tilespmem:$0xA000] =	vst v63  }
0x21: {  	_ =	swait.ge [sflag:s9], $0x4800  }
0x22: {  	s18 =	simm.s32 $0x280;
	[sflag:s9] =	ssyncset.done $0x0  }
0x23: {  	s17 =	simm.s32 $0x1200;
	s16 =	simm.s32 $0x180;
	[sflag:s9] =	ssyncadd.s32 $0xFFFFB800  }
.LBB2_2:
0x24: {  	[tilespmem:s12], [sflag:$0x2] =	stream.indirect.gather [hbm4b:s3+s10], $0x90, s16, s10, $0xb8;
	[tilespmem:$0xA000] =	vst v63  }
0x25: {  	s19 =	smov.u32 s17;
	s16 =	smov.u32 s18  }
0x26: {  	p0 =	sne.s32 s17, $0xFC00;
	s17 =	sadd.s32 $0x1200, s17;
	_ =	swait.ge [sflag:s13], $0x4800  }
0x27: {  	[sflag:s13] =	ssyncset.done $0x0  }
0x28: {  	s19 =	sadd.s32 s19, s8;
	[sflag:s13] =	ssyncadd.s32 $0xFFFFB800  }
0x29: {  	[hbm4b:s19+s2] =	stream.linear.scatter [tilespmem:s11], [sflag:$0x3], $0x4800, $0x38;
	[tilespmem:$0xA000] =	vst v63  }
0x2a: {  	_ =	swait.ge [sflag:s9], $0x4800  }
0x2b: {  	[sflag:s9] =	ssyncset.done $0x0  }
0x2c: {  	s20 =	sadd.s32 $0xFFFFFF80, s18;
	[sflag:s9] =	ssyncadd.s32 $0xFFFFB800  }
0x2d: {  	[tilespmem:s11], [sflag:$0x1] =	stream.indirect.gather [hbm4b:s3+s10], $0x90, s20, s10, $0xb8;
	[tilespmem:$0xA000] =	vst v63  }
0x2e: {  	_ =	swait.ge [sflag:s14], $0x4800  }
0x2f: {  	[sflag:s14] =	ssyncset.done $0x0  }
.Ltmp0:
0x30: {  	s19 =	sadd.s32 $0x900, s19;
	[sflag:s14] =	ssyncadd.s32 $0xFFFFB800;
	(pc) =	sbr.rel @p0 .LBB2_2-.Ltmp0, $4  }
0x31: {  	[hbm4b:s19+s2] =	stream.linear.scatter [tilespmem:s12], [sflag:$0x3], $0x4800, $0x38;
	[tilespmem:$0xA000] =	vst v63  }
0x32: {  	_ =	swait.ge [sflag:s9], $0x4800  }
0x33: {  	[sflag:s9] =	ssyncset.done $0x0  }
0x34: {  	s18 =	sadd.s32 $0x100, s18;
	[sflag:s9] =	ssyncadd.s32 $0xFFFFB800  }
0x35: {  	[tilespmem:s12], [sflag:$0x2] =	stream.indirect.gather [hbm4b:s3+s10], $0x90, s16, s10, $0xb8;
	[tilespmem:$0xA000] =	vst v63  }
0x36: {  	_ =	swait.ge [sflag:s13], $0x4800  }
0x37: {  	[sflag:s13] =	ssyncset.done $0x0  }
0x38: {  	[sflag:s13] =	ssyncadd.s32 $0xFFFFB800  }
0x39: {  	[hbm4b:s6+s2] =	stream.linear.scatter [tilespmem:s11], [sflag:$0x3], $0x4800, $0x38;
	[tilespmem:$0xA000] =	vst v63  }
0x3a: {  	_ =	swait.ge [sflag:s9], $0x4800  }
0x3b: {  	[sflag:s9] =	ssyncset.done $0x0  }
0x3c: {  	[sflag:s9] =	ssyncadd.s32 $0xFFFFB800  }
0x3d: {  	s15 =	sadd.s32 $0x1, s15;
	_ =	swait.ge [sflag:s14], $0x4800  }
0x3e: {  	p0 =	sne.s32 s15, s5;
	[sflag:s14] =	ssyncset.done $0x0  }
.Ltmp1:
0x3f: {  	[sflag:s14] =	ssyncadd.s32 $0xFFFFB800;
	(pc) =	sbr.rel @p0 .LBB2_1-.Ltmp1, $4  }
0x40: {  	[hbm4b:s7+s2] =	stream.linear.scatter [tilespmem:s12], [sflag:$0x3], $0x4800, $0x38;
	[tilespmem:$0xA000] =	vst v63  }
0x41: {  	_ =	swait.ge [sflag:s9], $0x4800  }
0x42: {  	[sflag:s9] =	ssyncset.done $0x0  }
0x43: {  	[sflag:s9] =	ssyncadd.s32 $0xFFFFB800  }
0x44: {  	_ =	sfence.sel $0x180000  }
0x45: {  	[bflag:$0x0] =	sbarrier.arrive $0xFFFF  }
0x46: {  	p0 =	sne.s32 s1, $0x0;
	_ =	strace $0x9000004A  }
0x47: {  	s0 =	sadd.s32 @!p0 $0x100000, s0;
	[bflag:$0x2] =	sbarrier.arrive $0xFFFF  }
0x48: {  	[sflag:s0] =	ssyncadd.tile.s32 @!p0 $0x1;
	_ =	shalt  }
.Lfunc_end2:
_tile_overlayer_lowered:
.L_overlay_start_2:
0x49: {  	(tag) =	ssettag $0x2  }
0x4a: {  	s0 =	rddreg [dreg:$0x0];
	s2 =	stileid.u32  }
0x4b: {  	s1 =	rddreg [dreg:$0x1];
	p0 =	sne.s32 s2, $0x0  }
0x4c: {  	s3 =	rddreg [dreg:$0x2];
	[bflag:$0x3] =	sbarrier.arrive $0xFFFF;
	s2 =	simm.s32 @!p0 $0x1C03  }
0x4d: {  	[timem:s3], [sflag:s2] =	dma.local @!p0 [hbm:s0], s1  }
0x4e: {  	s0 =	simm.s32 @!p0 $0x3  }
0x4f: {  	_ =	swait.ge @!p0 [sflag:s0], s1  }
0x50: {  	s1 =	ssub.s32 @!p0 $0x0, s1;
	[sflag:s0] =	ssyncset.done @!p0 $0x0  }
0x51: {  	[sflag:s0] =	ssyncadd.s32 @!p0 s1  }
0x52: {  	[bflag:$0x3] =	sbarrier.arrive $0xFFFF  }
0x53: {  	_ =	shalt  }

</sc_bundles>
